<compile_context>
chip_gen: v7x
topology: tpu7x:2x2x1
jax: 0.10.2.dev20260603
libtpu: 0.0.44.dev20260713+nightly
codegen_flags: <defaults>
</compile_context>

<pallas_src>
import functools

import jax
import jax.numpy as jnp
from jax import lax
from jax.experimental import pallas as pl
from jax.experimental.pallas import tpu as pltpu
from jax.experimental.pallas import tpu_sc as plsc

_N = 10000
_M = 10000
_K = 16
_D = 128
_P = _N * _K
_NW = 32
_CHUNK = 5120
_PPAD = _NW * _CHUNK
_BP = 4096
_BN = _BP // _K
_GRID = -(-_P // _BP)
_BPF = 8192
_BNF = _BPF // _K
_GRIDF = -(-_P // _BPF)
_EPS = 1e-6
_MM = (((1,), (0,)), ((), ()))


def _sc_gather(raw2d, idx_pad):
    mesh = plsc.VectorSubcoreMesh(core_axis_name="c", subcore_axis_name="s")

    @functools.partial(
        pl.kernel,
        mesh=mesh,
        out_type=jax.ShapeDtypeStruct((6, _PPAD), jnp.float32),
        compiler_params=pltpu.CompilerParams(needs_layout_passes=False),
        scratch_types=[
            pltpu.VMEM((_M * 6,), jnp.float32),
            pltpu.VMEM((_CHUNK,), jnp.int32),
            pltpu.VMEM((6, _CHUNK), jnp.float32),
        ],
    )
    def gather_kernel(raw_hbm, idx_hbm, out_hbm, table_v, idx_v, nb_v):
        wid = lax.axis_index("s") * 2 + lax.axis_index("c")
        base = wid * _CHUNK
        pltpu.sync_copy(raw_hbm, table_v)
        pltpu.sync_copy(idx_hbm.at[pl.ds(base, _CHUNK)], idx_v)

        @plsc.parallel_loop(0, _CHUNK, 16, unroll=32)
        def _(off):
            rows = idx_v[pl.ds(off, 16)] * 6
            for ch in range(6):
                nb_v[ch, pl.ds(off, 16)] = plsc.load_gather(table_v, [rows + ch])
        pltpu.sync_copy(nb_v, out_hbm.at[:, pl.ds(base, _CHUNK)])

    return gather_kernel(raw2d, idx_pad)


def _valid_mask(i):
    lane = lax.broadcasted_iota(jnp.int32, (1, _BP), 1)
    return (i * _BP + lane) < _P


def _split_dot_onehot(x, e):
    hi = x.astype(jnp.bfloat16).astype(jnp.float32)
    lo = x - hi
    return (lax.dot_general(hi, e, _MM, preferred_element_type=jnp.float32)
            + lax.dot_general(lo, e, _MM, preferred_element_type=jnp.float32))


def _split3_dot(a, b, dims):
    ahi = a.astype(jnp.bfloat16).astype(jnp.float32)
    alo = a - ahi
    bhi = b.astype(jnp.bfloat16).astype(jnp.float32)
    blo = b - bhi

    def d(x, y):
        return lax.dot_general(x, y, dims, preferred_element_type=jnp.float32)

    return d(ahi, bhi) + d(ahi, blo) + d(alo, bhi)


def _stats1(nbT, coordsT, wen, wd, wc):
    def kern(nb_ref, ct_ref, wen_ref, wd_ref, wc_ref,
             y1_ref, s1_ref, s2_ref, e_ref):
        i = pl.program_id(0)

        @pl.when(i == 0)
        def _():
            r = lax.broadcasted_iota(jnp.int32, (_BN, _BP), 0)
            c = lax.broadcasted_iota(jnp.int32, (_BN, _BP), 1)
            e_ref[...] = (r == (c // _K)).astype(jnp.float32)
            s1_ref[...] = jnp.zeros_like(s1_ref)
            s2_ref[...] = jnp.zeros_like(s2_ref)

        lane_p = lax.broadcasted_iota(jnp.int32, (1, _BP), 1)
        nb = jnp.where(i * _BP + lane_p < _P, nb_ref[...], 0.0)
        lane_n = lax.broadcasted_iota(jnp.int32, (1, _BN), 1)
        ct = jnp.where(i * _BN + lane_n < _N, ct_ref[...], 0.0)

        ext = _split_dot_onehot(ct, e_ref[...])
        diff = ext - nb
        d3 = diff[0:3, :]
        c3 = diff[3:6, :]
        dist = jnp.sqrt(jnp.sum(d3 * d3, axis=0, keepdims=True))
        cdif = jnp.sqrt(jnp.sum(c3 * c3, axis=0, keepdims=True))
        cat = jnp.concatenate([ext, nb], axis=0)
        y1 = (_split3_dot(wen_ref[...], cat, _MM)
              + wd_ref[...] * dist + wc_ref[...] * cdif)
        y1_ref[...] = y1
        valid = _valid_mask(i)
        s1_ref[...] += jnp.sum(jnp.where(valid, y1, 0.0), axis=1, keepdims=True)
        s2_ref[...] += jnp.sum(jnp.where(valid, y1 * y1, 0.0), axis=1,
                               keepdims=True)

    return pl.pallas_call(
        kern,
        grid=(_GRID,),
        in_specs=[
            pl.BlockSpec((6, _BP), lambda i: (0, i)),
            pl.BlockSpec((6, _BN), lambda i: (0, i)),
            pl.BlockSpec((16, 12), lambda i: (0, 0)),
            pl.BlockSpec((16, 1), lambda i: (0, 0)),
            pl.BlockSpec((16, 1), lambda i: (0, 0)),
        ],
        out_specs=[
            pl.BlockSpec((16, _BP), lambda i: (0, i)),
            pl.BlockSpec((16, 1), lambda i: (0, 0)),
            pl.BlockSpec((16, 1), lambda i: (0, 0)),
        ],
        out_shape=[
            jax.ShapeDtypeStruct((16, _GRID * _BP), jnp.float32),
            jax.ShapeDtypeStruct((16, 1), jnp.float32),
            jax.ShapeDtypeStruct((16, 1), jnp.float32),
        ],
        scratch_shapes=[pltpu.VMEM((_BN, _BP), jnp.float32)],
    )(nbT, coordsT, wen, wd, wc)


def _stats2(y1hbm, a1, c1):
    def kern(y1_ref, a1_ref, c1_ref, hs_ref, hh_ref):
        i = pl.program_id(0)

        @pl.when(i == 0)
        def _():
            hs_ref[...] = jnp.zeros_like(hs_ref)
            hh_ref[...] = jnp.zeros_like(hh_ref)

        h = jnp.maximum(a1_ref[...] * y1_ref[...] + c1_ref[...], 0.0)
        hm = jnp.where(_valid_mask(i), h, 0.0)
        hs_ref[...] += jnp.sum(hm, axis=1, keepdims=True)
        hh_ref[...] += lax.dot_general(hm, h, (((1,), (1,)), ((), ())),
                                       preferred_element_type=jnp.float32)

    return pl.pallas_call(
        kern,
        grid=(_GRID,),
        in_specs=[
            pl.BlockSpec((16, _BP), lambda i: (0, i)),
            pl.BlockSpec((16, 1), lambda i: (0, 0)),
            pl.BlockSpec((16, 1), lambda i: (0, 0)),
        ],
        out_specs=[
            pl.BlockSpec((16, 1), lambda i: (0, 0)),
            pl.BlockSpec((16, 16), lambda i: (0, 0)),
        ],
        out_shape=[
            jax.ShapeDtypeStruct((16, 1), jnp.float32),
            jax.ShapeDtypeStruct((16, 16), jnp.float32),
        ],
    )(y1hbm, a1, c1)


def _final(y1hbm, featsND, a1, c1, a2w, c2r):
    def kern(y1_ref, f_ref, a1_ref, c1_ref, a2w_ref, c2_ref, x_ref, ste_ref):
        h = jnp.maximum(a1_ref[...] * y1_ref[...] + c1_ref[...], 0.0)
        ot = jnp.maximum(
            _split3_dot(h, a2w_ref[...], (((0,), (1,)), ((), ())))
            + c2_ref[...], 0.0)
        ef = jnp.broadcast_to(f_ref[...][:, None, :],
                              (_BNF, _K, _D)).reshape(_BPF, _D)
        ste_ref[...] = ot
        x_ref[:, 0:_D] = ot
        x_ref[:, _D:2 * _D] = ef

    return pl.pallas_call(
        kern,
        grid=(_GRIDF,),
        in_specs=[
            pl.BlockSpec((16, _BPF), lambda i: (0, i)),
            pl.BlockSpec((_BNF, _D), lambda i: (i, 0)),
            pl.BlockSpec((16, 1), lambda i: (0, 0)),
            pl.BlockSpec((16, 1), lambda i: (0, 0)),
            pl.BlockSpec((_D, 16), lambda i: (0, 0)),
            pl.BlockSpec((1, _D), lambda i: (0, 0)),
        ],
        out_specs=[
            pl.BlockSpec((_BPF, 2 * _D), lambda i: (i, 0)),
            pl.BlockSpec((_BPF, _D), lambda i: (i, 0)),
        ],
        out_shape=[
            jax.ShapeDtypeStruct((_P, 2 * _D), jnp.float32),
            jax.ShapeDtypeStruct((_P, _D), jnp.float32),
        ],
    )(y1hbm, featsND, a1, c1, a2w, c2r)


def kernel(coords, raw_points, features, neigh_idx, whether_cal,
           W0, b0, g0, be0, W1, b1, g1, be1):
    f32 = jnp.float32
    idx = neigh_idx.astype(jnp.int32).reshape(_P)
    idx_pad = jnp.concatenate([idx, jnp.zeros((_PPAD - _P,), jnp.int32)])
    rawflat = raw_points.reshape(_M * 6).astype(f32)

    nbT = _sc_gather(rawflat, idx_pad)

    coordsT = jnp.transpose(coords.reshape(_N, 6).astype(f32))
    featsND = jnp.transpose(features.reshape(_D, _N).astype(f32))

    W0f = W0.astype(f32)
    we0 = W0f[:, 0:6] + W0f[:, 12:18]
    wn0 = W0f[:, 6:12] - W0f[:, 12:18]
    wd0 = W0f[:, 18:19]
    wc0 = W0f[:, 19:20]

    y1hbm, s1, s2 = _stats1(nbT, coordsT,
                            jnp.concatenate([we0, wn0], axis=1), wd0, wc0)
    mean1 = s1[:, 0] / _P
    var1 = s2[:, 0] / _P - mean1 * mean1
    a1 = g0 * lax.rsqrt(var1 + _EPS)
    c1 = be0 - a1 * mean1

    hs, hh = _stats2(y1hbm, a1[:, None], c1[:, None])
    W1f = W1.astype(f32)
    mh = hs[:, 0] / _P
    HH = hh / _P
    mean2 = jnp.dot(W1f, mh, precision=lax.Precision.HIGHEST)
    wHH = jnp.dot(W1f, HH, precision=lax.Precision.HIGHEST)
    var2 = jnp.sum(wHH * W1f, axis=1) - mean2 * mean2
    a2 = g1 * lax.rsqrt(var2 + _EPS)
    c2 = be1 - a2 * mean2
    a2w = a2[:, None] * W1.astype(f32)

    x2, ste2 = _final(y1hbm, featsND, a1[:, None], c1[:, None],
                      a2w, c2[None, :])
    x = jnp.transpose(x2.reshape(1, _N, _K, 2 * _D), (0, 3, 1, 2))
    ste = jnp.transpose(ste2.reshape(1, _N, _K, _D), (0, 3, 1, 2))
    return (x, ste)

# --- scband reference (transcript-rebuilt; emitter-appended) ---
"""Pipeline reference for scband-local-spatial-encoding-6992206758066 (READ-ONLY COPY).

The authoritative reference and input builder live on the scoring server;
editing this copy changes nothing except your own understanding.
"""

import jax, jax.numpy as jnp
import numpy as np

B, N, M, K, D = 1, 10000, 10000, 16, 128


def _bn(x, gamma, beta, eps=1e-6):
    mean = jnp.mean(x, axis=(0, 2, 3), keepdims=True)
    var = jnp.var(x, axis=(0, 2, 3), keepdims=True)
    xhat = (x - mean) / jnp.sqrt(var + eps)
    return gamma[None, :, None, None] * xhat + beta[None, :, None, None]


def _shared_mlp(x, W, b, gamma, beta):
    # 1x1 Conv2d over (B, C, N, K)
    y = jnp.einsum('oc,bcnk->bonk', W, x) + b[None, :, None, None]
    y = _bn(y, gamma, beta)
    return jax.nn.relu(y)


def setup_inputs(seed: int = 0) -> dict:
    key = jax.random.key(seed)
    ks = jax.random.split(key, 12)
    coords = jax.random.normal(ks[0], (B, N, 6), dtype=jnp.float32)
    raw_points = jax.random.normal(ks[1], (B, M, 6), dtype=jnp.float32)
    features = jax.random.normal(ks[2], (B, D, N, 1), dtype=jnp.float32)
    neigh_idx = jax.random.randint(ks[3], (B, N, K), 0, M, dtype=jnp.int64)
    # mlp0: 20 -> 16, mlp1: 16 -> D
    W0 = jax.random.normal(ks[4], (16, 20), dtype=jnp.float32) * 0.1
    b0 = jnp.zeros((16,), dtype=jnp.float32)
    g0 = jnp.ones((16,), dtype=jnp.float32)
    be0 = jnp.zeros((16,), dtype=jnp.float32)
    W1 = jax.random.normal(ks[5], (D, 16), dtype=jnp.float32) * 0.1
    b1 = jnp.zeros((D,), dtype=jnp.float32)
    g1 = jnp.ones((D,), dtype=jnp.float32)
    be1 = jnp.zeros((D,), dtype=jnp.float32)
    return {
        'coords': coords, 'raw_points': raw_points, 'features': features,
        'neigh_idx': neigh_idx, 'whether_cal': 1,
        'W0': W0, 'b0': b0, 'g0': g0, 'be0': be0,
        'W1': W1, 'b1': b1, 'g1': g1, 'be1': be1,
    }


def reference(coords, raw_points, features, neigh_idx, whether_cal,
              W0, b0, g0, be0, W1, b1, g1, be1):
    idx = neigh_idx.astype(jnp.int32)
    Bq, Nq, Kq = idx.shape
    # gather neighbor coordinates: (B, N, K, 6) -> channel-first (B, 6, N, K)
    batch_idx = jnp.arange(Bq)[:, None, None]
    nb = raw_points[batch_idx, idx]
    neighbors_xyzlab = jnp.transpose(nb, (0, 3, 1, 2))
    extended_coords_xyzlab = jnp.broadcast_to(
        jnp.transpose(coords, (0, 2, 1))[:, :, :, None], neighbors_xyzlab.shape)
    relative_xyz = extended_coords_xyzlab[:, :3] - neighbors_xyzlab[:, :3]
    relative_dis = jnp.sqrt(jnp.sum(relative_xyz ** 2, axis=1))  # (B, N, K)
    # use_rgb=True branch
    relative_rgb = extended_coords_xyzlab[:, 3:] - neighbors_xyzlab[:, 3:]
    color_diff = jnp.sqrt(jnp.sum(relative_rgb ** 2, axis=1))  # (B, N, K)
    concat = jnp.concatenate([
        extended_coords_xyzlab,
        neighbors_xyzlab,
        extended_coords_xyzlab - neighbors_xyzlab,
        relative_dis[:, None, :, :],
        color_diff[:, None, :, :],
    ], axis=1)  # (B, 20, N, K)
    h = _shared_mlp(concat, W0, b0, g0, be0)
    h = _shared_mlp(h, W1, b1, g1, be1)  # (B, D, N, K)
    ste_feature = h
    feats = jnp.broadcast_to(features, (Bq, features.shape[1], Nq, Kq))
    x = jnp.concatenate([h, feats], axis=1)  # (B, 2D, N, K)
    return (x, ste_feature)

if __name__ == "__main__":
    import jax
    _d = setup_inputs()
    print(jax.jit(kernel)(*tuple(_d.values())))

</pallas_src>

<mosaic_0001>
#map = affine_map<(d0, d1) -> (0)>
#map1 = affine_map<(d0, d1) -> (0, 0)>
module attributes {stable_mosaic.version = 14 : i64} {
  func.func @gather_kernel(%arg0: i32, %arg1: i32, %arg2: memref<60000xf32, #tpu.memory_space<hbm>>, %arg3: memref<163840xi32, #tpu.memory_space<hbm>>, %arg4: memref<6x163840xf32, #tpu.memory_space<hbm>>, %arg5: memref<60000xf32, #tpu.memory_space<vmem>>, %arg6: memref<5120xi32, #tpu.memory_space<vmem>>, %arg7: memref<6x5120xf32, #tpu.memory_space<vmem>>) attributes {dimension_semantics = [#tpu.dimension_semantics<core_parallel>, #tpu.dimension_semantics<subcore_parallel>], iteration_bounds = array<i64: 2, 16>, scalar_prefetch = 0 : i64, scratch_operands = 3 : i64, tpu.core_type = #tpu.core_type<sc_vector_subcore>, window_params = [{transform_indices = #map}, {transform_indices = #map}, {transform_indices = #map1}]} {
    %mul3A = arith.constant 2 : i32
    %mul3A_0 = arith.muli %arg1, %mul3A : i32
    %add3A = arith.addi %mul3A_0, %arg0 : i32
    %mul3A_1 = arith.constant 5120 : i32
    %mul3A_2 = arith.muli %add3A, %mul3A_1 : i32
    "tpu.region"() ({
      %run_scoped3A = tpu.sem_alloc : memref<!tpu.dma_semaphore, #tpu.memory_space<semaphore_mem>>
      tpu.enqueue_dma source(%arg2 : memref<60000xf32, #tpu.memory_space<hbm>>) target(%arg5 : memref<60000xf32, #tpu.memory_space<vmem>>) target_semaphore(%run_scoped3A : memref<!tpu.dma_semaphore, #tpu.memory_space<semaphore_mem>>)
      tpu.wait_dma2 semaphore(%run_scoped3A : memref<!tpu.dma_semaphore, #tpu.memory_space<semaphore_mem>>) src(%arg2 : memref<60000xf32, #tpu.memory_space<hbm>>) dst(%arg5 : memref<60000xf32, #tpu.memory_space<vmem>>)
      tpu.yield
    }) : () -> ()
    "tpu.region"() ({
      %run_scoped3A = tpu.sem_alloc : memref<!tpu.dma_semaphore, #tpu.memory_space<semaphore_mem>>
      %dma_start3A = tpu.memref_slice %arg3[%mul3A_2] : memref<163840xi32, #tpu.memory_space<hbm>> -> memref<5120xi32, #tpu.memory_space<hbm>>
      %dma_start3A_5 = tpu.memref_slice %arg3[%mul3A_2] : memref<163840xi32, #tpu.memory_space<hbm>> -> memref<5120xi32, #tpu.memory_space<hbm>>
      tpu.enqueue_dma source(%dma_start3A_5 : memref<5120xi32, #tpu.memory_space<hbm>>) target(%arg6 : memref<5120xi32, #tpu.memory_space<vmem>>) target_semaphore(%run_scoped3A : memref<!tpu.dma_semaphore, #tpu.memory_space<semaphore_mem>>)
      %dma_wait3A = tpu.memref_slice %arg3[%mul3A_2] : memref<163840xi32, #tpu.memory_space<hbm>> -> memref<5120xi32, #tpu.memory_space<hbm>>
      %dma_wait3A_6 = tpu.memref_slice %arg3[%mul3A_2] : memref<163840xi32, #tpu.memory_space<hbm>> -> memref<5120xi32, #tpu.memory_space<hbm>>
      tpu.wait_dma2 semaphore(%run_scoped3A : memref<!tpu.dma_semaphore, #tpu.memory_space<semaphore_mem>>) src(%dma_wait3A_6 : memref<5120xi32, #tpu.memory_space<hbm>>) dst(%arg6 : memref<5120xi32, #tpu.memory_space<vmem>>)
      tpu.yield
    }) : () -> ()
    %parallel_loop3A = arith.constant 0 : i32
    %parallel_loop3A_3 = arith.constant 5120 : i32
    %parallel_loop3A_4 = arith.constant 16 : i32
    scf.for %parallel_loop3A_5 = %parallel_loop3A to %parallel_loop3A_3 step %parallel_loop3A_4  : i32 {
      %parallel_loop3A_6 = arith.index_cast %parallel_loop3A_5 : i32 to index
      %parallel_loop3A_7 = tpu.vector_load %arg6[%parallel_loop3A_6] {strides = array<i32>} : memref<5120xi32, #tpu.memory_space<vmem>>, vector<16xi32>,
      %parallel_loop3A_8 = arith.constant 6 : i32
      %parallel_loop3A_9 = vector.broadcast %parallel_loop3A_8 : i32 to vector<16xi32>
      %parallel_loop3A_10 = arith.muli %parallel_loop3A_7, %parallel_loop3A_9 : vector<16xi32>
      %parallel_loop3A_11 = arith.constant 0 : i32
      %parallel_loop3A_12 = vector.broadcast %parallel_loop3A_11 : i32 to vector<16xi32>
      %parallel_loop3A_13 = arith.addi %parallel_loop3A_10, %parallel_loop3A_12 : vector<16xi32>
      %parallel_loop3A_14 = tpu.vector_load_idx %arg5[%parallel_loop3A_13] : memref<60000xf32, #tpu.memory_space<vmem>>[vector<16xi32>], vector<16xf32>,
      %parallel_loop3A_15 = arith.constant 0 : i32
      %parallel_loop3A_16 = arith.index_cast %parallel_loop3A_15 : i32 to index
      %parallel_loop3A_17 = arith.index_cast %parallel_loop3A_5 : i32 to index
      %parallel_loop3A_18 = tpu.vector_load %arg7[%parallel_loop3A_16, %parallel_loop3A_17] {strides = array<i32>} : memref<6x5120xf32, #tpu.memory_space<vmem>>, vector<16xf32>,
      tpu.vector_store %arg7[%parallel_loop3A_16, %parallel_loop3A_17], %parallel_loop3A_14 {strides = array<i32>} : memref<6x5120xf32, #tpu.memory_space<vmem>>, vector<16xf32>,
      %parallel_loop3A_19 = arith.constant 1 : i32
      %parallel_loop3A_20 = vector.broadcast %parallel_loop3A_19 : i32 to vector<16xi32>
      %parallel_loop3A_21 = arith.addi %parallel_loop3A_10, %parallel_loop3A_20 : vector<16xi32>
      %parallel_loop3A_22 = tpu.vector_load_idx %arg5[%parallel_loop3A_21] : memref<60000xf32, #tpu.memory_space<vmem>>[vector<16xi32>], vector<16xf32>,
      %parallel_loop3A_23 = arith.constant 1 : i32
      %parallel_loop3A_24 = arith.index_cast %parallel_loop3A_23 : i32 to index
      %parallel_loop3A_25 = arith.index_cast %parallel_loop3A_5 : i32 to index
      %parallel_loop3A_26 = tpu.vector_load %arg7[%parallel_loop3A_24, %parallel_loop3A_25] {strides = array<i32>} : memref<6x5120xf32, #tpu.memory_space<vmem>>, vector<16xf32>,
      tpu.vector_store %arg7[%parallel_loop3A_24, %parallel_loop3A_25], %parallel_loop3A_22 {strides = array<i32>} : memref<6x5120xf32, #tpu.memory_space<vmem>>, vector<16xf32>,
      %parallel_loop3A_27 = arith.constant 2 : i32
      %parallel_loop3A_28 = vector.broadcast %parallel_loop3A_27 : i32 to vector<16xi32>
      %parallel_loop3A_29 = arith.addi %parallel_loop3A_10, %parallel_loop3A_28 : vector<16xi32>
      %parallel_loop3A_30 = tpu.vector_load_idx %arg5[%parallel_loop3A_29] : memref<60000xf32, #tpu.memory_space<vmem>>[vector<16xi32>], vector<16xf32>,
      %parallel_loop3A_31 = arith.constant 2 : i32
      %parallel_loop3A_32 = arith.index_cast %parallel_loop3A_31 : i32 to index
      %parallel_loop3A_33 = arith.index_cast %parallel_loop3A_5 : i32 to index
      %parallel_loop3A_34 = tpu.vector_load %arg7[%parallel_loop3A_32, %parallel_loop3A_33] {strides = array<i32>} : memref<6x5120xf32, #tpu.memory_space<vmem>>, vector<16xf32>,
      tpu.vector_store %arg7[%parallel_loop3A_32, %parallel_loop3A_33], %parallel_loop3A_30 {strides = array<i32>} : memref<6x5120xf32, #tpu.memory_space<vmem>>, vector<16xf32>,
      %parallel_loop3A_35 = arith.constant 3 : i32
      %parallel_loop3A_36 = vector.broadcast %parallel_loop3A_35 : i32 to vector<16xi32>
      %parallel_loop3A_37 = arith.addi %parallel_loop3A_10, %parallel_loop3A_36 : vector<16xi32>
      %parallel_loop3A_38 = tpu.vector_load_idx %arg5[%parallel_loop3A_37] : memref<60000xf32, #tpu.memory_space<vmem>>[vector<16xi32>], vector<16xf32>,
      %parallel_loop3A_39 = arith.constant 3 : i32
      %parallel_loop3A_40 = arith.index_cast %parallel_loop3A_39 : i32 to index
      %parallel_loop3A_41 = arith.index_cast %parallel_loop3A_5 : i32 to index
      %parallel_loop3A_42 = tpu.vector_load %arg7[%parallel_loop3A_40, %parallel_loop3A_41] {strides = array<i32>} : memref<6x5120xf32, #tpu.memory_space<vmem>>, vector<16xf32>,
      tpu.vector_store %arg7[%parallel_loop3A_40, %parallel_loop3A_41], %parallel_loop3A_38 {strides = array<i32>} : memref<6x5120xf32, #tpu.memory_space<vmem>>, vector<16xf32>,
      %parallel_loop3A_43 = arith.constant 4 : i32
      %parallel_loop3A_44 = vector.broadcast %parallel_loop3A_43 : i32 to vector<16xi32>
      %parallel_loop3A_45 = arith.addi %parallel_loop3A_10, %parallel_loop3A_44 : vector<16xi32>
      %parallel_loop3A_46 = tpu.vector_load_idx %arg5[%parallel_loop3A_45] : memref<60000xf32, #tpu.memory_space<vmem>>[vector<16xi32>], vector<16xf32>,
      %parallel_loop3A_47 = arith.constant 4 : i32
      %parallel_loop3A_48 = arith.index_cast %parallel_loop3A_47 : i32 to index
      %parallel_loop3A_49 = arith.index_cast %parallel_loop3A_5 : i32 to index
      %parallel_loop3A_50 = tpu.vector_load %arg7[%parallel_loop3A_48, %parallel_loop3A_49] {strides = array<i32>} : memref<6x5120xf32, #tpu.memory_space<vmem>>, vector<16xf32>,
      tpu.vector_store %arg7[%parallel_loop3A_48, %parallel_loop3A_49], %parallel_loop3A_46 {strides = array<i32>} : memref<6x5120xf32, #tpu.memory_space<vmem>>, vector<16xf32>,
      %parallel_loop3A_51 = arith.constant 5 : i32
      %parallel_loop3A_52 = vector.broadcast %parallel_loop3A_51 : i32 to vector<16xi32>
      %parallel_loop3A_53 = arith.addi %parallel_loop3A_10, %parallel_loop3A_52 : vector<16xi32>
      %parallel_loop3A_54 = tpu.vector_load_idx %arg5[%parallel_loop3A_53] : memref<60000xf32, #tpu.memory_space<vmem>>[vector<16xi32>], vector<16xf32>,
      %parallel_loop3A_55 = arith.constant 5 : i32
      %parallel_loop3A_56 = arith.index_cast %parallel_loop3A_55 : i32 to index
      %parallel_loop3A_57 = arith.index_cast %parallel_loop3A_5 : i32 to index
      %parallel_loop3A_58 = tpu.vector_load %arg7[%parallel_loop3A_56, %parallel_loop3A_57] {strides = array<i32>} : memref<6x5120xf32, #tpu.memory_space<vmem>>, vector<16xf32>,
      tpu.vector_store %arg7[%parallel_loop3A_56, %parallel_loop3A_57], %parallel_loop3A_54 {strides = array<i32>} : memref<6x5120xf32, #tpu.memory_space<vmem>>, vector<16xf32>,
    } {sc.loop_unroll_factor = 32 : i64, sc.parallel_access}
    "tpu.region"() ({
      %run_scoped3A = tpu.sem_alloc : memref<!tpu.dma_semaphore, #tpu.memory_space<semaphore_mem>>
      %dma_start3A = arith.constant 0 : i32
      %dma_start3A_5 = tpu.memref_slice %arg4[%dma_start3A, %mul3A_2] : memref<6x163840xf32, #tpu.memory_space<hbm>> -> memref<6x5120xf32, #tpu.memory_space<hbm>>
      %dma_start3A_6 = arith.constant 0 : i32
      %dma_start3A_7 = tpu.memref_slice %arg4[%dma_start3A_6, %mul3A_2] : memref<6x163840xf32, #tpu.memory_space<hbm>> -> memref<6x5120xf32, #tpu.memory_space<hbm>>
      tpu.enqueue_dma source(%arg7 : memref<6x5120xf32, #tpu.memory_space<vmem>>) target(%dma_start3A_7 : memref<6x5120xf32, #tpu.memory_space<hbm>>) target_semaphore(%run_scoped3A : memref<!tpu.dma_semaphore, #tpu.memory_space<semaphore_mem>>)
      %dma_wait3A = arith.constant 0 : i32
      %dma_wait3A_8 = tpu.memref_slice %arg4[%dma_wait3A, %mul3A_2] : memref<6x163840xf32, #tpu.memory_space<hbm>> -> memref<6x5120xf32, #tpu.memory_space<hbm>>
      %dma_wait3A_9 = arith.constant 0 : i32
      %dma_wait3A_10 = tpu.memref_slice %arg4[%dma_wait3A_9, %mul3A_2] : memref<6x163840xf32, #tpu.memory_space<hbm>> -> memref<6x5120xf32, #tpu.memory_space<hbm>>
      tpu.wait_dma2 semaphore(%run_scoped3A : memref<!tpu.dma_semaphore, #tpu.memory_space<semaphore_mem>>) src(%arg7 : memref<6x5120xf32, #tpu.memory_space<vmem>>) dst(%dma_wait3A_10 : memref<6x5120xf32, #tpu.memory_space<hbm>>)
      tpu.yield
    }) : () -> ()
    return
  }
}

module attributes {stable_mosaic.version = 14 : i64} {
  func.func @kern(%arg0: i32, %arg1: memref<16x4096xf32, #tpu.memory_space<vmem>>, %arg2: memref<16x1xf32, #tpu.memory_space<vmem>>, %arg3: memref<16x1xf32, #tpu.memory_space<vmem>>, %arg4: memref<16x1xf32, #tpu.memory_space<vmem>>, %arg5: memref<16x16xf32, #tpu.memory_space<vmem>>) attributes {dimension_semantics = [#tpu.dimension_semantics<arbitrary>], iteration_bounds = array<i64: 40>, scalar_prefetch = 0 : i64, scratch_operands = 0 : i64, tpu.core_type = #tpu.core_type<tc>, window_params = [{transform_indices = @transform_0, window_bounds = array<i64: 16, 4096>}, {pipeline_mode = #tpu.pipeline_mode<synchronous>, transform_indices = @transform_1, window_bounds = array<i64: 16, 1>}, {pipeline_mode = #tpu.pipeline_mode<synchronous>, transform_indices = @transform_2, window_bounds = array<i64: 16, 1>}, {pipeline_mode = #tpu.pipeline_mode<synchronous>, transform_indices = @transform_3, window_bounds = array<i64: 16, 1>}, {pipeline_mode = #tpu.pipeline_mode<synchronous>, transform_indices = @transform_4, window_bounds = array<i64: 16, 16>}]} {
    %eq3A = arith.constant 0 : i32
    %eq3A_0 = arith.cmpi eq, %arg0, %eq3A : i32
    %convert_element_type3A = arith.extui %eq3A_0 : i1 to i32
    %cond3A = arith.constant 0 : i32
    %cond3A_1 = arith.cmpi ne, %convert_element_type3A, %cond3A : i32
    scf.if %cond3A_1 {
      %broadcast_in_dim3A_38 = arith.constant 0.000000e+00 : f32
      %broadcast_in_dim3A_39 = vector.broadcast %broadcast_in_dim3A_38 : f32 to vector<16x1xf32>
      %swap3A_40 = arith.constant 0 : index
      %swap3A_41 = arith.constant 0 : index
      %swap3A_42 = vector.load %arg4[%swap3A_40, %swap3A_41] : memref<16x1xf32, #tpu.memory_space<vmem>>, vector<16x1xf32>
      tpu.vector_store %arg4[%swap3A_40, %swap3A_41], %broadcast_in_dim3A_39 {strides = array<i32>} : memref<16x1xf32, #tpu.memory_space<vmem>>, vector<16x1xf32>,
      %broadcast_in_dim3A_43 = arith.constant 0.000000e+00 : f32
      %broadcast_in_dim3A_44 = vector.broadcast %broadcast_in_dim3A_43 : f32 to vector<16x16xf32>
      %swap3A_45 = arith.constant 0 : index
      %swap3A_46 = arith.constant 0 : index
      %swap3A_47 = vector.load %arg5[%swap3A_45, %swap3A_46] : memref<16x16xf32, #tpu.memory_space<vmem>>, vector<16x16xf32>
      tpu.vector_store %arg5[%swap3A_45, %swap3A_46], %broadcast_in_dim3A_44 {strides = array<i32>} : memref<16x16xf32, #tpu.memory_space<vmem>>, vector<16x16xf32>,
    } else {
    }
    %get3A = arith.constant 0 : index
    %get3A_2 = arith.constant 0 : index
    %get3A_3 = vector.load %arg2[%get3A, %get3A_2] : memref<16x1xf32, #tpu.memory_space<vmem>>, vector<16x1xf32>
    %get3A_4 = arith.constant 0 : index
    %get3A_5 = arith.constant 0 : index
    %get3A_6 = vector.load %arg1[%get3A_4, %get3A_5] : memref<16x4096xf32, #tpu.memory_space<vmem>>, vector<16x4096xf32>
    %mul3A = vector.broadcast %get3A_3 : vector<16x1xf32> to vector<16x4096xf32>
    %mul3A_7 = arith.mulf %mul3A, %get3A_6 : vector<16x4096xf32>
    %get3A_8 = arith.constant 0 : index
    %get3A_9 = arith.constant 0 : index
    %get3A_10 = vector.load %arg3[%get3A_8, %get3A_9] : memref<16x1xf32, #tpu.memory_space<vmem>>, vector<16x1xf32>
    %add3A = vector.broadcast %get3A_10 : vector<16x1xf32> to vector<16x4096xf32>
    %add3A_11 = arith.addf %mul3A_7, %add3A : vector<16x4096xf32>
    %max3A = arith.constant 0.000000e+00 : f32
    %max3A_12 = vector.broadcast %max3A : f32 to vector<16x4096xf32>
    %max3A_13 = arith.maximumf %add3A_11, %max3A_12 : vector<16x4096xf32>
    %iota3A = tpu.iota {dimensions = array<i32: 1>} : vector<1x4096xi32>
    %mul3A_14 = arith.constant 4096 : i32
    %mul3A_15 = arith.muli %arg0, %mul3A_14 : i32
    %add3A_16 = vector.broadcast %mul3A_15 : i32 to vector<1x4096xi32>
    %add3A_17 = arith.addi %add3A_16, %iota3A : vector<1x4096xi32>
    %lt3A = arith.constant 160000 : i32
    %lt3A_18 = vector.broadcast %lt3A : i32 to vector<1x4096xi32>
    %lt3A_19 = arith.cmpi slt, %add3A_17, %lt3A_18 : vector<1x4096xi32>
    %jit3A = arith.constant 0.000000e+00 : f32
    %broadcast_in_dim3A = vector.shape_cast %lt3A_19 : vector<1x4096xi1> to vector<1x4096xi1>
    %broadcast_in_dim3A_20 = vector.broadcast %broadcast_in_dim3A : vector<1x4096xi1> to vector<16x4096xi1>
    %broadcast_in_dim3A_21 = vector.broadcast %jit3A : f32 to vector<16x4096xf32>
    %select_n3A = arith.select %broadcast_in_dim3A_20, %max3A_13, %broadcast_in_dim3A_21 : vector<16x4096xi1>, vector<16x4096xf32>
    %get3A_22 = arith.constant 0 : index
    %get3A_23 = arith.constant 0 : index
    %get3A_24 = vector.load %arg4[%get3A_22, %get3A_23] : memref<16x1xf32, #tpu.memory_space<vmem>>, vector<16x1xf32>
    %reduce_sum3A = arith.constant dense<0.000000e+00> : vector<16xf32>
    %reduce_sum3A_25 = vector.multi_reduction <add>, %select_n3A, %reduce_sum3A [1] : vector<16x4096xf32> to vector<16xf32>
    %broadcast_in_dim3A_26 = vector.shape_cast %reduce_sum3A_25 : vector<16xf32> to vector<16x1xf32>
    %add3A_27 = arith.addf %get3A_24, %broadcast_in_dim3A_26 : vector<16x1xf32>
    %swap3A = arith.constant 0 : index
    %swap3A_28 = arith.constant 0 : index
    %swap3A_29 = vector.load %arg4[%swap3A, %swap3A_28] : memref<16x1xf32, #tpu.memory_space<vmem>>, vector<16x1xf32>
    tpu.vector_store %arg4[%swap3A, %swap3A_28], %add3A_27 {strides = array<i32>} : memref<16x1xf32, #tpu.memory_space<vmem>>, vector<16x1xf32>,
    %get3A_30 = arith.constant 0 : index
    %get3A_31 = arith.constant 0 : index
    %get3A_32 = vector.load %arg5[%get3A_30, %get3A_31] : memref<16x16xf32, #tpu.memory_space<vmem>>, vector<16x16xf32>
    %dot_general3A = arith.constant dense<0.000000e+00> : vector<16x16xf32>
    %dot_general3A_33 = tpu.matmul %select_n3A, %max3A_13, %dot_general3A {dimension_numbers = #tpu.dot_dimension_numbers<[1], [1], [0], [0], [0, 0, 1, 0], [], []>, transpose_lhs_hint = false} : vector<16x4096xf32>, vector<16x4096xf32>, vector<16x16xf32> -> vector<16x16xf32>
    %add3A_34 = arith.addf %get3A_32, %dot_general3A_33 : vector<16x16xf32>
    %swap3A_35 = arith.constant 0 : index
    %swap3A_36 = arith.constant 0 : index
    %swap3A_37 = vector.load %arg5[%swap3A_35, %swap3A_36] : memref<16x16xf32, #tpu.memory_space<vmem>>, vector<16x16xf32>
    tpu.vector_store %arg5[%swap3A_35, %swap3A_36], %add3A_34 {strides = array<i32>} : memref<16x16xf32, #tpu.memory_space<vmem>>, vector<16x16xf32>,
    return
  }
  func.func @transform_0(%arg0: i32) -> (i32, i32) {
    %c0_i32 = arith.constant 0 : i32
    %c0_i32_0 = arith.constant 0 : i32
    return %c0_i32, %arg0 : i32, i32
  }
  func.func @transform_1(%arg0: i32) -> (i32, i32) {
    %c0_i32 = arith.constant 0 : i32
    %c0_i32_0 = arith.constant 0 : i32
    %c0_i32_1 = arith.constant 0 : i32
    return %c0_i32, %c0_i32_0 : i32, i32
  }
  func.func @transform_2(%arg0: i32) -> (i32, i32) {
    %c0_i32 = arith.constant 0 : i32
    %c0_i32_0 = arith.constant 0 : i32
    %c0_i32_1 = arith.constant 0 : i32
    return %c0_i32, %c0_i32_0 : i32, i32
  }
  func.func @transform_3(%arg0: i32) -> (i32, i32) {
    %c0_i32 = arith.constant 0 : i32
    %c0_i32_0 = arith.constant 0 : i32
    %c0_i32_1 = arith.constant 0 : i32
    return %c0_i32, %c0_i32_0 : i32, i32
  }
  func.func @transform_4(%arg0: i32) -> (i32, i32) {
    %c0_i32 = arith.constant 0 : i32
    %c0_i32_0 = arith.constant 0 : i32
    %c0_i32_1 = arith.constant 0 : i32
    return %c0_i32, %c0_i32_0 : i32, i32
  }
}

module attributes {stable_mosaic.version = 14 : i64} {
  func.func @kern(%arg0: i32, %arg1: memref<6x4096xf32, #tpu.memory_space<vmem>>, %arg2: memref<6x256xf32, #tpu.memory_space<vmem>>, %arg3: memref<16x12xf32, #tpu.memory_space<vmem>>, %arg4: memref<16x1xf32, #tpu.memory_space<vmem>>, %arg5: memref<16x1xf32, #tpu.memory_space<vmem>>, %arg6: memref<16x4096xf32, #tpu.memory_space<vmem>>, %arg7: memref<16x1xf32, #tpu.memory_space<vmem>>, %arg8: memref<16x1xf32, #tpu.memory_space<vmem>>, %arg9: memref<256x4096xf32, #tpu.memory_space<vmem>>) attributes {dimension_semantics = [#tpu.dimension_semantics<arbitrary>], iteration_bounds = array<i64: 40>, scalar_prefetch = 0 : i64, scratch_operands = 1 : i64, tpu.core_type = #tpu.core_type<tc>, window_params = [{transform_indices = @transform_0, window_bounds = array<i64: 6, 4096>}, {transform_indices = @transform_1, window_bounds = array<i64: 6, 256>}, {pipeline_mode = #tpu.pipeline_mode<synchronous>, transform_indices = @transform_2, window_bounds = array<i64: 16, 12>}, {pipeline_mode = #tpu.pipeline_mode<synchronous>, transform_indices = @transform_3, window_bounds = array<i64: 16, 1>}, {pipeline_mode = #tpu.pipeline_mode<synchronous>, transform_indices = @transform_4, window_bounds = array<i64: 16, 1>}, {transform_indices = @transform_5, window_bounds = array<i64: 16, 4096>}, {pipeline_mode = #tpu.pipeline_mode<synchronous>, transform_indices = @transform_6, window_bounds = array<i64: 16, 1>}, {pipeline_mode = #tpu.pipeline_mode<synchronous>, transform_indices = @transform_7, window_bounds = array<i64: 16, 1>}]} {
    %eq3A = arith.constant 0 : i32
    %eq3A_0 = arith.cmpi eq, %arg0, %eq3A : i32
    %convert_element_type3A = arith.extui %eq3A_0 : i1 to i32
    %cond3A = arith.constant 0 : i32
    %cond3A_1 = arith.cmpi ne, %convert_element_type3A, %cond3A : i32
    scf.if %cond3A_1 {
      %iota3A_117 = tpu.iota {dimensions = array<i32: 0>} : vector<256x4096xi32>
      %iota3A_118 = tpu.iota {dimensions = array<i32: 1>} : vector<256x4096xi32>
      %jit3A_119 = arith.constant 16 : i32
      %div3A = vector.broadcast %jit3A_119 : i32 to vector<256x4096xi32>
      %div3A_120 = arith.divsi %iota3A_118, %div3A : vector<256x4096xi32>
      %sign3A = arith.constant 0 : i32
      %sign3A_121 = vector.broadcast %sign3A : i32 to vector<256x4096xi32>
      %sign3A_122 = arith.cmpi sgt, %iota3A_118, %sign3A_121 : vector<256x4096xi32>
      %sign3A_123 = arith.extui %sign3A_122 : vector<256x4096xi1> to vector<256x4096xi32>
      %sign3A_124 = arith.constant 0 : i32
      %sign3A_125 = vector.broadcast %sign3A_124 : i32 to vector<256x4096xi32>
      %sign3A_126 = arith.cmpi slt, %iota3A_118, %sign3A_125 : vector<256x4096xi32>
      %sign3A_127 = arith.extui %sign3A_126 : vector<256x4096xi1> to vector<256x4096xi32>
      %sign3A_128 = arith.subi %sign3A_123, %sign3A_127 : vector<256x4096xi32>
      %sign3A_129 = arith.constant 0 : i32
      %sign3A_130 = arith.cmpi sgt, %jit3A_119, %sign3A_129 : i32
      %sign3A_131 = arith.extui %sign3A_130 : i1 to i32
      %sign3A_132 = arith.constant 0 : i32
      %sign3A_133 = arith.cmpi slt, %jit3A_119, %sign3A_132 : i32
      %sign3A_134 = arith.extui %sign3A_133 : i1 to i32
      %sign3A_135 = arith.subi %sign3A_131, %sign3A_134 : i32
      %ne3A = vector.broadcast %sign3A_135 : i32 to vector<256x4096xi32>
      %ne3A_136 = arith.cmpi ne, %sign3A_128, %ne3A : vector<256x4096xi32>
      %rem3A = vector.broadcast %jit3A_119 : i32 to vector<256x4096xi32>
      %rem3A_137 = arith.remsi %iota3A_118, %rem3A : vector<256x4096xi32>
      %ne3A_138 = arith.constant 0 : i32
      %ne3A_139 = vector.broadcast %ne3A_138 : i32 to vector<256x4096xi32>
      %ne3A_140 = arith.cmpi ne, %rem3A_137, %ne3A_139 : vector<256x4096xi32>
      %and3A = arith.andi %ne3A_136, %ne3A_140 : vector<256x4096xi1>
      %sub3A_141 = arith.constant 1 : i32
      %sub3A_142 = vector.broadcast %sub3A_141 : i32 to vector<256x4096xi32>
      %sub3A_143 = arith.subi %div3A_120, %sub3A_142 : vector<256x4096xi32>
      %select_n3A_144 = arith.select %and3A, %sub3A_143, %div3A_120 : vector<256x4096xi1>, vector<256x4096xi32>
      %eq3A_145 = arith.cmpi eq, %iota3A_117, %select_n3A_144 : vector<256x4096xi32>
      %convert_element_type3A_146 = arith.extui %eq3A_145 : vector<256x4096xi1> to vector<256x4096xi32>
      %convert_element_type3A_147 = arith.sitofp %convert_element_type3A_146 : vector<256x4096xi32> to vector<256x4096xf32>
      %swap3A_148 = arith.constant 0 : index
      %swap3A_149 = arith.constant 0 : index
      %swap3A_150 = vector.load %arg9[%swap3A_148, %swap3A_149] : memref<256x4096xf32, #tpu.memory_space<vmem>>, vector<256x4096xf32>
      tpu.vector_store %arg9[%swap3A_148, %swap3A_149], %convert_element_type3A_147 {strides = array<i32>} : memref<256x4096xf32, #tpu.memory_space<vmem>>, vector<256x4096xf32>,
      %broadcast_in_dim3A_151 = arith.constant 0.000000e+00 : f32
      %broadcast_in_dim3A_152 = vector.broadcast %broadcast_in_dim3A_151 : f32 to vector<16x1xf32>
      %swap3A_153 = arith.constant 0 : index
      %swap3A_154 = arith.constant 0 : index
      %swap3A_155 = vector.load %arg7[%swap3A_153, %swap3A_154] : memref<16x1xf32, #tpu.memory_space<vmem>>, vector<16x1xf32>
      tpu.vector_store %arg7[%swap3A_153, %swap3A_154], %broadcast_in_dim3A_152 {strides = array<i32>} : memref<16x1xf32, #tpu.memory_space<vmem>>, vector<16x1xf32>,
      %broadcast_in_dim3A_156 = arith.constant 0.000000e+00 : f32
      %broadcast_in_dim3A_157 = vector.broadcast %broadcast_in_dim3A_156 : f32 to vector<16x1xf32>
      %swap3A_158 = arith.constant 0 : index
      %swap3A_159 = arith.constant 0 : index
      %swap3A_160 = vector.load %arg8[%swap3A_158, %swap3A_159] : memref<16x1xf32, #tpu.memory_space<vmem>>, vector<16x1xf32>
      tpu.vector_store %arg8[%swap3A_158, %swap3A_159], %broadcast_in_dim3A_157 {strides = array<i32>} : memref<16x1xf32, #tpu.memory_space<vmem>>, vector<16x1xf32>,
    } else {
    }
    %iota3A = tpu.iota {dimensions = array<i32: 1>} : vector<1x4096xi32>
    %mul3A = arith.constant 4096 : i32
    %mul3A_2 = arith.muli %arg0, %mul3A : i32
    %add3A = vector.broadcast %mul3A_2 : i32 to vector<1x4096xi32>
    %add3A_3 = arith.addi %add3A, %iota3A : vector<1x4096xi32>
    %lt3A = arith.constant 160000 : i32
    %lt3A_4 = vector.broadcast %lt3A : i32 to vector<1x4096xi32>
    %lt3A_5 = arith.cmpi slt, %add3A_3, %lt3A_4 : vector<1x4096xi32>
    %get3A = arith.constant 0 : index
    %get3A_6 = arith.constant 0 : index
    %get3A_7 = vector.load %arg1[%get3A, %get3A_6] : memref<6x4096xf32, #tpu.memory_space<vmem>>, vector<6x4096xf32>
    %jit3A = arith.constant 0.000000e+00 : f32
    %broadcast_in_dim3A = vector.shape_cast %lt3A_5 : vector<1x4096xi1> to vector<1x4096xi1>
    %broadcast_in_dim3A_8 = vector.broadcast %broadcast_in_dim3A : vector<1x4096xi1> to vector<6x4096xi1>
    %broadcast_in_dim3A_9 = vector.broadcast %jit3A : f32 to vector<6x4096xf32>
    %select_n3A = arith.select %broadcast_in_dim3A_8, %get3A_7, %broadcast_in_dim3A_9 : vector<6x4096xi1>, vector<6x4096xf32>
    %iota3A_10 = tpu.iota {dimensions = array<i32: 1>} : vector<1x256xi32>
    %mul3A_11 = arith.constant 256 : i32
    %mul3A_12 = arith.muli %arg0, %mul3A_11 : i32
    %add3A_13 = vector.broadcast %mul3A_12 : i32 to vector<1x256xi32>
    %add3A_14 = arith.addi %add3A_13, %iota3A_10 : vector<1x256xi32>
    %lt3A_15 = arith.constant 10000 : i32
    %lt3A_16 = vector.broadcast %lt3A_15 : i32 to vector<1x256xi32>
    %lt3A_17 = arith.cmpi slt, %add3A_14, %lt3A_16 : vector<1x256xi32>
    %get3A_18 = arith.constant 0 : index
    %get3A_19 = arith.constant 0 : index
    %get3A_20 = vector.load %arg2[%get3A_18, %get3A_19] : memref<6x256xf32, #tpu.memory_space<vmem>>, vector<6x256xf32>
    %jit3A_21 = arith.constant 0.000000e+00 : f32
    %broadcast_in_dim3A_22 = vector.shape_cast %lt3A_17 : vector<1x256xi1> to vector<1x256xi1>
    %broadcast_in_dim3A_23 = vector.broadcast %broadcast_in_dim3A_22 : vector<1x256xi1> to vector<6x256xi1>
    %broadcast_in_dim3A_24 = vector.broadcast %jit3A_21 : f32 to vector<6x256xf32>
    %select_n3A_25 = arith.select %broadcast_in_dim3A_23, %get3A_20, %broadcast_in_dim3A_24 : vector<6x256xi1>, vector<6x256xf32>
    %get3A_26 = arith.constant 0 : index
    %get3A_27 = arith.constant 0 : index
    %get3A_28 = vector.load %arg9[%get3A_26, %get3A_27] : memref<256x4096xf32, #tpu.memory_space<vmem>>, vector<256x4096xf32>
    %convert_element_type3A_29 = arith.truncf %select_n3A_25 : vector<6x256xf32> to vector<6x256xbf16>
    %convert_element_type3A_30 = arith.extf %convert_element_type3A_29 : vector<6x256xbf16> to vector<6x256xf32>
    %sub3A = arith.subf %select_n3A_25, %convert_element_type3A_30 : vector<6x256xf32>
    %dot_general3A = arith.constant dense<0.000000e+00> : vector<6x4096xf32>
    %dot_general3A_31 = tpu.matmul %convert_element_type3A_30, %get3A_28, %dot_general3A {dimension_numbers = #tpu.dot_dimension_numbers<[1], [0], [0], [1], [0, 0, 1, 1], [], []>, transpose_lhs_hint = false} : vector<6x256xf32>, vector<256x4096xf32>, vector<6x4096xf32> -> vector<6x4096xf32>
    %dot_general3A_32 = arith.constant dense<0.000000e+00> : vector<6x4096xf32>
    %dot_general3A_33 = tpu.matmul %sub3A, %get3A_28, %dot_general3A_32 {dimension_numbers = #tpu.dot_dimension_numbers<[1], [0], [0], [1], [0, 0, 1, 1], [], []>, transpose_lhs_hint = false} : vector<6x256xf32>, vector<256x4096xf32>, vector<6x4096xf32> -> vector<6x4096xf32>
    %add3A_34 = arith.addf %dot_general3A_31, %dot_general3A_33 : vector<6x4096xf32>
    %sub3A_35 = arith.subf %add3A_34, %select_n3A : vector<6x4096xf32>
    %slice3A = vector.extract_strided_slice %sub3A_35 {offsets = [0, 0], sizes = [3, 4096], strides = [1, 1]} : vector<6x4096xf32> to vector<3x4096xf32>
    %slice3A_36 = vector.extract_strided_slice %sub3A_35 {offsets = [3, 0], sizes = [3, 4096], strides = [1, 1]} : vector<6x4096xf32> to vector<3x4096xf32>
    %mul3A_37 = arith.mulf %slice3A, %slice3A : vector<3x4096xf32>
    %reduce_sum3A = arith.constant dense<0.000000e+00> : vector<4096xf32>
    %reduce_sum3A_38 = vector.multi_reduction <add>, %mul3A_37, %reduce_sum3A [0] : vector<3x4096xf32> to vector<4096xf32>
    %broadcast_in_dim3A_39 = vector.shape_cast %reduce_sum3A_38 : vector<4096xf32> to vector<1x4096xf32>
    %sqrt3A = math.sqrt %broadcast_in_dim3A_39 : vector<1x4096xf32>
    %mul3A_40 = arith.mulf %slice3A_36, %slice3A_36 : vector<3x4096xf32>
    %reduce_sum3A_41 = arith.constant dense<0.000000e+00> : vector<4096xf32>
    %reduce_sum3A_42 = vector.multi_reduction <add>, %mul3A_40, %reduce_sum3A_41 [0] : vector<3x4096xf32> to vector<4096xf32>
    %broadcast_in_dim3A_43 = vector.shape_cast %reduce_sum3A_42 : vector<4096xf32> to vector<1x4096xf32>
    %sqrt3A_44 = math.sqrt %broadcast_in_dim3A_43 : vector<1x4096xf32>
    %concatenate3A = tpu.concatenate %add3A_34, %select_n3A in 0 : vector<6x4096xf32>, vector<6x4096xf32> -> vector<12x4096xf32>
    %get3A_45 = arith.constant 0 : index
    %get3A_46 = arith.constant 0 : index
    %get3A_47 = vector.load %arg3[%get3A_45, %get3A_46] : memref<16x12xf32, #tpu.memory_space<vmem>>, vector<16x12xf32>
    %convert_element_type3A_48 = arith.truncf %get3A_47 : vector<16x12xf32> to vector<16x12xbf16>
    %convert_element_type3A_49 = arith.extf %convert_element_type3A_48 : vector<16x12xbf16> to vector<16x12xf32>
    %sub3A_50 = arith.subf %get3A_47, %convert_element_type3A_49 : vector<16x12xf32>
    %convert_element_type3A_51 = arith.truncf %concatenate3A : vector<12x4096xf32> to vector<12x4096xbf16>
    %convert_element_type3A_52 = arith.extf %convert_element_type3A_51 : vector<12x4096xbf16> to vector<12x4096xf32>
    %sub3A_53 = arith.subf %concatenate3A, %convert_element_type3A_52 : vector<12x4096xf32>
    %dot_general3A_54 = arith.constant dense<0.000000e+00> : vector<16x4096xf32>
    %dot_general3A_55 = tpu.matmul %convert_element_type3A_49, %convert_element_type3A_52, %dot_general3A_54 {dimension_numbers = #tpu.dot_dimension_numbers<[1], [0], [0], [1], [0, 0, 1, 1], [], []>, transpose_lhs_hint = false} : vector<16x12xf32>, vector<12x4096xf32>, vector<16x4096xf32> -> vector<16x4096xf32>
    %dot_general3A_56 = arith.constant dense<0.000000e+00> : vector<16x4096xf32>
    %dot_general3A_57 = tpu.matmul %convert_element_type3A_49, %sub3A_53, %dot_general3A_56 {dimension_numbers = #tpu.dot_dimension_numbers<[1], [0], [0], [1], [0, 0, 1, 1], [], []>, transpose_lhs_hint = false} : vector<16x12xf32>, vector<12x4096xf32>, vector<16x4096xf32> -> vector<16x4096xf32>
    %add3A_58 = arith.addf %dot_general3A_55, %dot_general3A_57 : vector<16x4096xf32>
    %dot_general3A_59 = arith.constant dense<0.000000e+00> : vector<16x4096xf32>
    %dot_general3A_60 = tpu.matmul %sub3A_50, %convert_element_type3A_52, %dot_general3A_59 {dimension_numbers = #tpu.dot_dimension_numbers<[1], [0], [0], [1], [0, 0, 1, 1], [], []>, transpose_lhs_hint = false} : vector<16x12xf32>, vector<12x4096xf32>, vector<16x4096xf32> -> vector<16x4096xf32>
    %add3A_61 = arith.addf %add3A_58, %dot_general3A_60 : vector<16x4096xf32>
    %get3A_62 = arith.constant 0 : index
    %get3A_63 = arith.constant 0 : index
    %get3A_64 = vector.load %arg4[%get3A_62, %get3A_63] : memref<16x1xf32, #tpu.memory_space<vmem>>, vector<16x1xf32>
    %mul3A_65 = vector.broadcast %get3A_64 : vector<16x1xf32> to vector<16x4096xf32>
    %mul3A_66 = vector.broadcast %sqrt3A : vector<1x4096xf32> to vector<16x4096xf32>
    %mul3A_67 = arith.mulf %mul3A_65, %mul3A_66 : vector<16x4096xf32>
    %add3A_68 = arith.addf %add3A_61, %mul3A_67 : vector<16x4096xf32>
    %get3A_69 = arith.constant 0 : index
    %get3A_70 = arith.constant 0 : index
    %get3A_71 = vector.load %arg5[%get3A_69, %get3A_70] : memref<16x1xf32, #tpu.memory_space<vmem>>, vector<16x1xf32>
    %mul3A_72 = vector.broadcast %get3A_71 : vector<16x1xf32> to vector<16x4096xf32>
    %mul3A_73 = vector.broadcast %sqrt3A_44 : vector<1x4096xf32> to vector<16x4096xf32>
    %mul3A_74 = arith.mulf %mul3A_72, %mul3A_73 : vector<16x4096xf32>
    %add3A_75 = arith.addf %add3A_68, %mul3A_74 : vector<16x4096xf32>
    %swap3A = arith.constant 0 : index
    %swap3A_76 = arith.constant 0 : index
    %swap3A_77 = vector.load %arg6[%swap3A, %swap3A_76] : memref<16x4096xf32, #tpu.memory_space<vmem>>, vector<16x4096xf32>
    tpu.vector_store %arg6[%swap3A, %swap3A_76], %add3A_75 {strides = array<i32>} : memref<16x4096xf32, #tpu.memory_space<vmem>>, vector<16x4096xf32>,
    %iota3A_78 = tpu.iota {dimensions = array<i32: 1>} : vector<1x4096xi32>
    %mul3A_79 = arith.constant 4096 : i32
    %mul3A_80 = arith.muli %arg0, %mul3A_79 : i32
    %add3A_81 = vector.broadcast %mul3A_80 : i32 to vector<1x4096xi32>
    %add3A_82 = arith.addi %add3A_81, %iota3A_78 : vector<1x4096xi32>
    %lt3A_83 = arith.constant 160000 : i32
    %lt3A_84 = vector.broadcast %lt3A_83 : i32 to vector<1x4096xi32>
    %lt3A_85 = arith.cmpi slt, %add3A_82, %lt3A_84 : vector<1x4096xi32>
    %get3A_86 = arith.constant 0 : index
    %get3A_87 = arith.constant 0 : index
    %get3A_88 = vector.load %arg7[%get3A_86, %get3A_87] : memref<16x1xf32, #tpu.memory_space<vmem>>, vector<16x1xf32>
    %jit3A_89 = arith.constant 0.000000e+00 : f32
    %broadcast_in_dim3A_90 = vector.shape_cast %lt3A_85 : vector<1x4096xi1> to vector<1x4096xi1>
    %broadcast_in_dim3A_91 = vector.broadcast %broadcast_in_dim3A_90 : vector<1x4096xi1> to vector<16x4096xi1>
    %broadcast_in_dim3A_92 = vector.broadcast %jit3A_89 : f32 to vector<16x4096xf32>
    %select_n3A_93 = arith.select %broadcast_in_dim3A_91, %add3A_75, %broadcast_in_dim3A_92 : vector<16x4096xi1>, vector<16x4096xf32>
    %reduce_sum3A_94 = arith.constant dense<0.000000e+00> : vector<16xf32>
    %reduce_sum3A_95 = vector.multi_reduction <add>, %select_n3A_93, %reduce_sum3A_94 [1] : vector<16x4096xf32> to vector<16xf32>
    %broadcast_in_dim3A_96 = vector.shape_cast %reduce_sum3A_95 : vector<16xf32> to vector<16x1xf32>
    %add3A_97 = arith.addf %get3A_88, %broadcast_in_dim3A_96 : vector<16x1xf32>
    %swap3A_98 = arith.constant 0 : index
    %swap3A_99 = arith.constant 0 : index
    %swap3A_100 = vector.load %arg7[%swap3A_98, %swap3A_99] : memref<16x1xf32, #tpu.memory_space<vmem>>, vector<16x1xf32>
    tpu.vector_store %arg7[%swap3A_98, %swap3A_99], %add3A_97 {strides = array<i32>} : memref<16x1xf32, #tpu.memory_space<vmem>>, vector<16x1xf32>,
    %get3A_101 = arith.constant 0 : index
    %get3A_102 = arith.constant 0 : index
    %get3A_103 = vector.load %arg8[%get3A_101, %get3A_102] : memref<16x1xf32, #tpu.memory_space<vmem>>, vector<16x1xf32>
    %mul3A_104 = arith.mulf %add3A_75, %add3A_75 : vector<16x4096xf32>
    %jit3A_105 = arith.constant 0.000000e+00 : f32
    %broadcast_in_dim3A_106 = vector.shape_cast %lt3A_85 : vector<1x4096xi1> to vector<1x4096xi1>
    %broadcast_in_dim3A_107 = vector.broadcast %broadcast_in_dim3A_106 : vector<1x4096xi1> to vector<16x4096xi1>
    %broadcast_in_dim3A_108 = vector.broadcast %jit3A_105 : f32 to vector<16x4096xf32>
    %select_n3A_109 = arith.select %broadcast_in_dim3A_107, %mul3A_104, %broadcast_in_dim3A_108 : vector<16x4096xi1>, vector<16x4096xf32>
    %reduce_sum3A_110 = arith.constant dense<0.000000e+00> : vector<16xf32>
    %reduce_sum3A_111 = vector.multi_reduction <add>, %select_n3A_109, %reduce_sum3A_110 [1] : vector<16x4096xf32> to vector<16xf32>
    %broadcast_in_dim3A_112 = vector.shape_cast %reduce_sum3A_111 : vector<16xf32> to vector<16x1xf32>
    %add3A_113 = arith.addf %get3A_103, %broadcast_in_dim3A_112 : vector<16x1xf32>
    %swap3A_114 = arith.constant 0 : index
    %swap3A_115 = arith.constant 0 : index
    %swap3A_116 = vector.load %arg8[%swap3A_114, %swap3A_115] : memref<16x1xf32, #tpu.memory_space<vmem>>, vector<16x1xf32>
    tpu.vector_store %arg8[%swap3A_114, %swap3A_115], %add3A_113 {strides = array<i32>} : memref<16x1xf32, #tpu.memory_space<vmem>>, vector<16x1xf32>,
    return
  }
  func.func @transform_0(%arg0: i32) -> (i32, i32) {
    %c0_i32 = arith.constant 0 : i32
    %c0_i32_0 = arith.constant 0 : i32
    return %c0_i32, %arg0 : i32, i32
  }
  func.func @transform_1(%arg0: i32) -> (i32, i32) {
    %c0_i32 = arith.constant 0 : i32
    %c0_i32_0 = arith.constant 0 : i32
    return %c0_i32, %arg0 : i32, i32
  }
  func.func @transform_2(%arg0: i32) -> (i32, i32) {
    %c0_i32 = arith.constant 0 : i32
    %c0_i32_0 = arith.constant 0 : i32
    %c0_i32_1 = arith.constant 0 : i32
    return %c0_i32, %c0_i32_0 : i32, i32
  }
  func.func @transform_3(%arg0: i32) -> (i32, i32) {
    %c0_i32 = arith.constant 0 : i32
    %c0_i32_0 = arith.constant 0 : i32
    %c0_i32_1 = arith.constant 0 : i32
    return %c0_i32, %c0_i32_0 : i32, i32
  }
  func.func @transform_4(%arg0: i32) -> (i32, i32) {
    %c0_i32 = arith.constant 0 : i32
    %c0_i32_0 = arith.constant 0 : i32
    %c0_i32_1 = arith.constant 0 : i32
    return %c0_i32, %c0_i32_0 : i32, i32
  }
  func.func @transform_5(%arg0: i32) -> (i32, i32) {
    %c0_i32 = arith.constant 0 : i32
    %c0_i32_0 = arith.constant 0 : i32
    return %c0_i32, %arg0 : i32, i32
  }
  func.func @transform_6(%arg0: i32) -> (i32, i32) {
    %c0_i32 = arith.constant 0 : i32
    %c0_i32_0 = arith.constant 0 : i32
    %c0_i32_1 = arith.constant 0 : i32
    return %c0_i32, %c0_i32_0 : i32, i32
  }
  func.func @transform_7(%arg0: i32) -> (i32, i32) {
    %c0_i32 = arith.constant 0 : i32
    %c0_i32_0 = arith.constant 0 : i32
    %c0_i32_1 = arith.constant 0 : i32
    return %c0_i32, %c0_i32_0 : i32, i32
  }
}

module attributes {stable_mosaic.version = 14 : i64} {
  func.func @kern(%arg0: i32, %arg1: memref<16x8192xf32, #tpu.memory_space<vmem>>, %arg2: memref<512x128xf32, #tpu.memory_space<vmem>>, %arg3: memref<16x1xf32, #tpu.memory_space<vmem>>, %arg4: memref<16x1xf32, #tpu.memory_space<vmem>>, %arg5: memref<128x16xf32, #tpu.memory_space<vmem>>, %arg6: memref<1x128xf32, #tpu.memory_space<vmem>>, %arg7: memref<8192x256xf32, #tpu.memory_space<vmem>>, %arg8: memref<8192x128xf32, #tpu.memory_space<vmem>>) attributes {dimension_semantics = [#tpu.dimension_semantics<arbitrary>], iteration_bounds = array<i64: 20>, scalar_prefetch = 0 : i64, scratch_operands = 0 : i64, tpu.core_type = #tpu.core_type<tc>, window_params = [{transform_indices = @transform_0, window_bounds = array<i64: 16, 8192>}, {transform_indices = @transform_1, window_bounds = array<i64: 512, 128>}, {pipeline_mode = #tpu.pipeline_mode<synchronous>, transform_indices = @transform_2, window_bounds = array<i64: 16, 1>}, {pipeline_mode = #tpu.pipeline_mode<synchronous>, transform_indices = @transform_3, window_bounds = array<i64: 16, 1>}, {pipeline_mode = #tpu.pipeline_mode<synchronous>, transform_indices = @transform_4, window_bounds = array<i64: 128, 16>}, {pipeline_mode = #tpu.pipeline_mode<synchronous>, transform_indices = @transform_5, window_bounds = array<i64: 1, 128>}, {transform_indices = @transform_6, window_bounds = array<i64: 8192, 256>}, {transform_indices = @transform_7, window_bounds = array<i64: 8192, 128>}]} {
    %get3A = arith.constant 0 : index
    %get3A_0 = arith.constant 0 : index
    %get3A_1 = vector.load %arg3[%get3A, %get3A_0] : memref<16x1xf32, #tpu.memory_space<vmem>>, vector<16x1xf32>
    %get3A_2 = arith.constant 0 : index
    %get3A_3 = arith.constant 0 : index
    %get3A_4 = vector.load %arg1[%get3A_2, %get3A_3] : memref<16x8192xf32, #tpu.memory_space<vmem>>, vector<16x8192xf32>
    %mul3A = vector.broadcast %get3A_1 : vector<16x1xf32> to vector<16x8192xf32>
    %mul3A_5 = arith.mulf %mul3A, %get3A_4 : vector<16x8192xf32>
    %get3A_6 = arith.constant 0 : index
    %get3A_7 = arith.constant 0 : index
    %get3A_8 = vector.load %arg4[%get3A_6, %get3A_7] : memref<16x1xf32, #tpu.memory_space<vmem>>, vector<16x1xf32>
    %add3A = vector.broadcast %get3A_8 : vector<16x1xf32> to vector<16x8192xf32>
    %add3A_9 = arith.addf %mul3A_5, %add3A : vector<16x8192xf32>
    %max3A = arith.constant 0.000000e+00 : f32
    %max3A_10 = vector.broadcast %max3A : f32 to vector<16x8192xf32>
    %max3A_11 = arith.maximumf %add3A_9, %max3A_10 : vector<16x8192xf32>
    %get3A_12 = arith.constant 0 : index
    %get3A_13 = arith.constant 0 : index
    %get3A_14 = vector.load %arg5[%get3A_12, %get3A_13] : memref<128x16xf32, #tpu.memory_space<vmem>>, vector<128x16xf32>
    %convert_element_type3A = arith.truncf %max3A_11 : vector<16x8192xf32> to vector<16x8192xbf16>
    %convert_element_type3A_15 = arith.extf %convert_element_type3A : vector<16x8192xbf16> to vector<16x8192xf32>
    %sub3A = arith.subf %max3A_11, %convert_element_type3A_15 : vector<16x8192xf32>
    %convert_element_type3A_16 = arith.truncf %get3A_14 : vector<128x16xf32> to vector<128x16xbf16>
    %convert_element_type3A_17 = arith.extf %convert_element_type3A_16 : vector<128x16xbf16> to vector<128x16xf32>
    %sub3A_18 = arith.subf %get3A_14, %convert_element_type3A_17 : vector<128x16xf32>
    %dot_general3A = arith.constant dense<0.000000e+00> : vector<8192x128xf32>
    %dot_general3A_19 = tpu.matmul %convert_element_type3A_15, %convert_element_type3A_17, %dot_general3A {dimension_numbers = #tpu.dot_dimension_numbers<[0], [1], [1], [0], [0, 1, 1, 0], [], []>, transpose_lhs_hint = false} : vector<16x8192xf32>, vector<128x16xf32>, vector<8192x128xf32> -> vector<8192x128xf32>
    %dot_general3A_20 = arith.constant dense<0.000000e+00> : vector<8192x128xf32>
    %dot_general3A_21 = tpu.matmul %convert_element_type3A_15, %sub3A_18, %dot_general3A_20 {dimension_numbers = #tpu.dot_dimension_numbers<[0], [1], [1], [0], [0, 1, 1, 0], [], []>, transpose_lhs_hint = false} : vector<16x8192xf32>, vector<128x16xf32>, vector<8192x128xf32> -> vector<8192x128xf32>
    %add3A_22 = arith.addf %dot_general3A_19, %dot_general3A_21 : vector<8192x128xf32>
    %dot_general3A_23 = arith.constant dense<0.000000e+00> : vector<8192x128xf32>
    %dot_general3A_24 = tpu.matmul %sub3A, %convert_element_type3A_17, %dot_general3A_23 {dimension_numbers = #tpu.dot_dimension_numbers<[0], [1], [1], [0], [0, 1, 1, 0], [], []>, transpose_lhs_hint = false} : vector<16x8192xf32>, vector<128x16xf32>, vector<8192x128xf32> -> vector<8192x128xf32>
    %add3A_25 = arith.addf %add3A_22, %dot_general3A_24 : vector<8192x128xf32>
    %get3A_26 = arith.constant 0 : index
    %get3A_27 = arith.constant 0 : index
    %get3A_28 = vector.load %arg6[%get3A_26, %get3A_27] : memref<1x128xf32, #tpu.memory_space<vmem>>, vector<1x128xf32>
    %add3A_29 = vector.broadcast %get3A_28 : vector<1x128xf32> to vector<8192x128xf32>
    %add3A_30 = arith.addf %add3A_25, %add3A_29 : vector<8192x128xf32>
    %max3A_31 = arith.constant 0.000000e+00 : f32
    %max3A_32 = vector.broadcast %max3A_31 : f32 to vector<8192x128xf32>
    %max3A_33 = arith.maximumf %add3A_30, %max3A_32 : vector<8192x128xf32>
    %get3A_34 = arith.constant 0 : index
    %get3A_35 = arith.constant 0 : index
    %get3A_36 = vector.load %arg2[%get3A_34, %get3A_35] : memref<512x128xf32, #tpu.memory_space<vmem>>, vector<512x128xf32>
    %broadcast_in_dim3A = vector.shape_cast %get3A_36 : vector<512x128xf32> to vector<512x1x128xf32>
    %broadcast_in_dim3A_37 = vector.shape_cast %broadcast_in_dim3A : vector<512x1x128xf32> to vector<512x1x128xf32>
    %broadcast_in_dim3A_38 = vector.broadcast %broadcast_in_dim3A_37 : vector<512x1x128xf32> to vector<512x16x128xf32>
    %reshape3A = vector.shape_cast %broadcast_in_dim3A_38 : vector<512x16x128xf32> to vector<8192x128xf32>
    %swap3A = arith.constant 0 : index
    %swap3A_39 = arith.constant 0 : index
    %swap3A_40 = vector.load %arg8[%swap3A, %swap3A_39] : memref<8192x128xf32, #tpu.memory_space<vmem>>, vector<8192x128xf32>
    tpu.vector_store %arg8[%swap3A, %swap3A_39], %max3A_33 {strides = array<i32>} : memref<8192x128xf32, #tpu.memory_space<vmem>>, vector<8192x128xf32>,
    %swap3A_41 = arith.constant 0 : index
    %swap3A_42 = arith.constant 0 : index
    %swap3A_43 = vector.load %arg7[%swap3A_41, %swap3A_42] : memref<8192x256xf32, #tpu.memory_space<vmem>>, vector<8192x128xf32>
    tpu.vector_store %arg7[%swap3A_41, %swap3A_42], %max3A_33 {strides = array<i32>} : memref<8192x256xf32, #tpu.memory_space<vmem>>, vector<8192x128xf32>,
    %swap3A_44 = arith.constant 0 : index
    %swap3A_45 = arith.constant 128 : index
    %swap3A_46 = vector.load %arg7[%swap3A_44, %swap3A_45] : memref<8192x256xf32, #tpu.memory_space<vmem>>, vector<8192x128xf32>
    tpu.vector_store %arg7[%swap3A_44, %swap3A_45], %reshape3A {strides = array<i32>} : memref<8192x256xf32, #tpu.memory_space<vmem>>, vector<8192x128xf32>,
    return
  }
  func.func @transform_0(%arg0: i32) -> (i32, i32) {
    %c0_i32 = arith.constant 0 : i32
    %c0_i32_0 = arith.constant 0 : i32
    return %c0_i32, %arg0 : i32, i32
  }
  func.func @transform_1(%arg0: i32) -> (i32, i32) {
    %c0_i32 = arith.constant 0 : i32
    %c0_i32_0 = arith.constant 0 : i32
    return %arg0, %c0_i32 : i32, i32
  }
  func.func @transform_2(%arg0: i32) -> (i32, i32) {
    %c0_i32 = arith.constant 0 : i32
    %c0_i32_0 = arith.constant 0 : i32
    %c0_i32_1 = arith.constant 0 : i32
    return %c0_i32, %c0_i32_0 : i32, i32
  }
  func.func @transform_3(%arg0: i32) -> (i32, i32) {
    %c0_i32 = arith.constant 0 : i32
    %c0_i32_0 = arith.constant 0 : i32
    %c0_i32_1 = arith.constant 0 : i32
    return %c0_i32, %c0_i32_0 : i32, i32
  }
  func.func @transform_4(%arg0: i32) -> (i32, i32) {
    %c0_i32 = arith.constant 0 : i32
    %c0_i32_0 = arith.constant 0 : i32
    %c0_i32_1 = arith.constant 0 : i32
    return %c0_i32, %c0_i32_0 : i32, i32
  }
  func.func @transform_5(%arg0: i32) -> (i32, i32) {
    %c0_i32 = arith.constant 0 : i32
    %c0_i32_0 = arith.constant 0 : i32
    %c0_i32_1 = arith.constant 0 : i32
    return %c0_i32, %c0_i32_0 : i32, i32
  }
  func.func @transform_6(%arg0: i32) -> (i32, i32) {
    %c0_i32 = arith.constant 0 : i32
    %c0_i32_0 = arith.constant 0 : i32
    return %arg0, %c0_i32 : i32, i32
  }
  func.func @transform_7(%arg0: i32) -> (i32, i32) {
    %c0_i32 = arith.constant 0 : i32
    %c0_i32_0 = arith.constant 0 : i32
    return %arg0, %c0_i32 : i32, i32
  }
}

</mosaic_0001>

<sc_bundles>
// kernel: kernel.6.cloned.1.call-start
scs
__scs_entry_jumppad:
0x0: {  	(pc) =	sbr.rel $0x88, $3  }
0x1: {  	(tag) =	ssettag $0x0;
	lr =	simm.s32 $0x1  }
0x2: {  	[smem:$0x3F97] =	sst lr;
	_ =	strace $0xD0000000  }
0x3: {  	_ = 	snop  }
0x4: {  	_ = 	snop  }
0x5: {  	_ = 	snop  }
0x6: {  	_ = 	snop  }
0x7: {  	_ = 	snop  }
__scs_overlays_trampoline_lowered:
0x8: {  	[smem:$0x3FA6] =	sst s0  }
0x9: {  	[smem:$0x3FA7] =	sst s1  }
0xa: {  	[smem:$0x3FA8] =	sst s2  }
0xb: {  	[smem:$0x3FA9] =	sst s3  }
0xc: {  	[smem:$0x3FAA] =	sst s4  }
0xd: {  	[smem:$0x3FAB] =	sst s5  }
0xe: {  	[smem:$0x3FAC] =	sst s6  }
0xf: {  	[smem:$0x3FAD] =	sst s7  }
0x10: {  	[smem:$0x3FAE] =	sst s8  }
0x11: {  	[smem:$0x3FAF] =	sst s9;
	s0 =	simm.s32 @!p0 $0x0  }
0x12: {  	s1 =	sld [smem:$0x3F95];
	s0 =	simm.s32 @p0 $0x1  }
0x13: {  	[smem:$0x3FB0] =	sst s0;
	s0 =	simm.s32 @!p1 $0x0  }
0x14: {  	s2 =	sld [smem:$0x3F94];
	s0 =	simm.s32 @p1 $0x1  }
0x15: {  	[smem:$0x3FB1] =	sst s0;
	s0 =	simm.s32 @!p2 $0x0  }
0x16: {  	s3 =	sld [smem:$0x3FDB];
	s0 =	simm.s32 @p2 $0x1  }
0x17: {  	s4 =	simm.s32 $0x1BF5;
	[smem:$0x3FB3] =	sst s0  }
0x18: {  	s0 =	sld [smem:$0x3F96];
	_ =	swait.ge [sflag:s4], $0x0  }
0x19: {  	s7 =	sld [smem:$0x3F97]  }
0x1a: {  	s8 =	sadd.s32 $0xFFFFE003, lr  }
0x1b: {  	s9 =	sadd.s32 $0xFFFFFEF7, lr;
	s5 =	simm.s32 $0xFFFFFFFF;
	p2 =	slt.u32 s8, $0xFFFFF086  }
0x1c: {  	p1 =	slt.u32 s9, $0xF7A;
	s5 =	simm.s32 @!p2 $0x0  }
0x1d: {  	s5 =	simm.s32 @p1 $0x1;
	p0 =	seq.s32 s7, s2  }
0x1e: {  	s7 =	smul.u32 @!p0 $0xF7A, s2;
	p2 =	seq.s32 @!p0 s5, $0x0  }
0x1f: {  	s9 =	smul.u32 $0xF7A, s1;
	s8 =	simm.s32 @!p0 $0x1BF5;
	p2 =	por !p2, p0  }
0x20: {  	[sflag:s8] =	ssyncset.s32 @!p0 $0xFFFFF086;
	s6 =	sadd.s32 @!p0 s3, s7;
	s7 =	simm.s32 @!p0 $0x108  }
0x21: {  	s3 =	sadd.s32 s3, s9;
	s6 =	sadd.s32 @!p0 $0x88, s6;
	s7 =	simm.s32 @p2 $0x1082  }
0x22: {  	[simem:s7], [sflag:s8] =	dma.local @!p0 [hbm:s6], $0xF7A  }
0x23: {  	s9 =	sor.u32 $0xD0000000, s2;
	s6 =	simm.s32 $0x108;
	_ =	swait.ge @!p0 [sflag:s8], $0x0  }
0x24: {  	s3 =	sadd.s32 $0x88, s3;
	s6 =	simm.s32 @!p1 $0x1082;
	[sflag:s4] =	ssyncset.s32 $0xFFFFF086  }
0x25: {  	[simem:s6], [sflag:s4] =	dma.local [hbm:s3], $0xF7A  }
0x26: {  	[smem:$0x3F97] =	sst s1;
	(tag) =	ssettag s2;
	_ =	strace s9  }
0x27: {  	s1 =	sld [smem:$0x3FA7]  }
0x28: {  	s2 =	sld [smem:$0x3FA8]  }
0x29: {  	s4 =	sld [smem:$0x3FAA]  }
0x2a: {  	p0 =	seq.s32 s5, $0x0;
	s5 =	sld [smem:$0x3FAB]  }
0x2b: {  	s6 =	sld [smem:$0x3FAC]  }
0x2c: {  	s7 =	sld [smem:$0x3FAD]  }
0x2d: {  	s3 =	simm.s32 $0x108;
	s8 =	sld [smem:$0x3FAE]  }
0x2e: {  	s3 =	simm.s32 @!p0 $0x1082;
	s9 =	sld [smem:$0x3FAF]  }
0x2f: {  	lr =	sadd.s32 s0, s3;
	s0 =	sld [smem:$0x3FA6]  }
0x30: {  	s3 =	sld [smem:$0x3FA9]  }
0x31: {  	[smem:$0x3FB2] =	sst s10  }
0x32: {  	s10 =	sld [smem:$0x3FB0];
	_ =	sdelay $0x3  }
0x33: {  	p0 =	seq.s32 s10, $0x1;
	s10 =	sld [smem:$0x3FB2];
	_ =	sdelay $0x3  }
0x34: {  	[smem:$0x3FB2] =	sst s10  }
0x35: {  	s10 =	sld [smem:$0x3FB1];
	_ =	sdelay $0x3  }
0x36: {  	p1 =	seq.s32 s10, $0x1;
	s10 =	sld [smem:$0x3FB2];
	_ =	sdelay $0x3  }
0x37: {  	[smem:$0x3FB2] =	sst s10  }
0x38: {  	s10 =	sld [smem:$0x3FB3]  }
0x39: {  	_ = 	snop;
	(pc) =	sbr.ind lr, $3  }
0x3a: {  	_ = 	snop  }
0x3b: {  	_ = 	snop  }
0x3c: {  	p2 =	seq.s32 s10, $0x1;
	s10 =	sld [smem:$0x3FB2]  }
0x3d: {  	_ =	shalt  }
0x3e: {  	_ =	shalt  }
0x3f: {  	_ =	shalt  }
0x40: {  	_ =	shalt  }
0x41: {  	_ =	shalt  }
0x42: {  	_ =	shalt  }
0x43: {  	_ =	shalt  }
0x44: {  	_ =	shalt  }
0x45: {  	_ =	shalt  }
0x46: {  	_ =	shalt  }
0x47: {  	_ =	shalt  }
0x48: {  	_ =	shalt  }
0x49: {  	_ =	shalt  }
0x4a: {  	_ =	shalt  }
0x4b: {  	_ =	shalt  }
0x4c: {  	_ =	shalt  }
0x4d: {  	_ =	shalt  }
0x4e: {  	_ =	shalt  }
0x4f: {  	_ =	shalt  }
0x50: {  	_ =	shalt  }
0x51: {  	_ =	shalt  }
0x52: {  	_ =	shalt  }
0x53: {  	_ =	shalt  }
0x54: {  	_ =	shalt  }
0x55: {  	_ =	shalt  }
0x56: {  	_ =	shalt  }
0x57: {  	_ =	shalt  }
0x58: {  	_ =	shalt  }
0x59: {  	_ =	shalt  }
0x5a: {  	_ =	shalt  }
0x5b: {  	_ =	shalt  }
0x5c: {  	_ =	shalt  }
0x5d: {  	_ =	shalt  }
0x5e: {  	_ =	shalt  }
0x5f: {  	_ =	shalt  }
0x60: {  	_ =	shalt  }
0x61: {  	_ =	shalt  }
0x62: {  	_ =	shalt  }
0x63: {  	_ =	shalt  }
0x64: {  	_ =	shalt  }
0x65: {  	_ =	shalt  }
0x66: {  	_ =	shalt  }
0x67: {  	_ =	shalt  }
0x68: {  	_ =	shalt  }
0x69: {  	_ =	shalt  }
0x6a: {  	_ =	shalt  }
0x6b: {  	_ =	shalt  }
0x6c: {  	_ =	shalt  }
0x6d: {  	_ =	shalt  }
0x6e: {  	_ =	shalt  }
0x6f: {  	_ =	shalt  }
0x70: {  	_ =	shalt  }
0x71: {  	_ =	shalt  }
0x72: {  	_ =	shalt  }
0x73: {  	_ =	shalt  }
0x74: {  	_ =	shalt  }
0x75: {  	_ =	shalt  }
0x76: {  	_ =	shalt  }
0x77: {  	_ =	shalt  }
0x78: {  	_ =	shalt  }
0x79: {  	_ =	shalt  }
0x7a: {  	_ =	shalt  }
0x7b: {  	_ =	shalt  }
0x7c: {  	_ =	shalt  }
0x7d: {  	_ =	shalt  }
0x7e: {  	_ =	shalt  }
0x7f: {  	_ =	shalt  }
0x80: {  	_ =	shalt  }
0x81: {  	_ =	shalt  }
0x82: {  	_ =	shalt  }
0x83: {  	_ =	shalt  }
0x84: {  	_ =	shalt  }
0x85: {  	_ =	shalt  }
0x86: {  	_ =	shalt  }
0x87: {  	_ =	shalt  }
.Lfunc_end0:
.L_simem_size_0:
called_computation_lowered:
.L_overlay_start_0:
0x88: {  	s2 =	sld [smem:$0x3FD9]  }
0x89: {  	s3 =	sld [smem:$0x3FFE];
	_ =	sdelay $0x1  }
0x8a: {  	s1 =	srdreg.scid  }
0x8b: {  	s0 =	sand.u32 $0x1, s1  }
0x8c: {  	s14 =	sshll.u32 s0, $0xA;
	s2 =	sadd.s32 s3, s2  }
0x8d: {  	s2 =	sadd.s32 s2, s14  }
0x8e: {  	[smem:$0x3FBE] =	sst s2  }
0x8f: {  	_ = 	snop  }
0x90: {  	s2 =	sld [smem:$0x3FD0];
	_ =	sdelay $0x2  }
0x91: {  	s15 =	simm.s32 $0xA;
	s4 =	simm.s32 $0x10  }
0x92: {  	[smem:s4], [sflag:s15] =	dma.local [hbm:s2], $0x1  }
0x93: {  	_ =	swait.eq [sflag:s15], $0x1  }
0x94: {  	[sflag:s15] =	ssyncset.done $0x0  }
0x95: {  	s16 =	sld [smem:$0x10];
	[sflag:s15] =	ssyncadd.s32 $0xFFFFFFFF  }
0x96: {  	s17 =	sld [smem:$0x11];
	(tm) =	ssettm $0x1  }
0x97: {  	s18 =	sld [smem:$0x3FFB];
	_ =	sdelay $0x3  }
0x98: {  	_ =	strace s18  }
0x99: {  	s4 =	sld [smem:$0x3FFC];
	_ =	sdelay $0x3  }
0x9a: {  	_ =	strace s4  }
0x9b: {  	s4 =	sld [smem:$0x3FFD];
	_ =	sdelay $0x3  }
0x9c: {  	_ =	strace s4  }
0x9d: {  	_ =	strace $0x8FFFFFFF  }
0x9e: {  	s19 =	sld [smem:$0x3FDB];
	_ =	sdelay $0x1  }
0x9f: {  	s5 =	simm.s32 $_scs_section_size  }
0xa0: {  	s6 =	simm.s32 $_size__tile_overlayer_lowered;
	s7 =	simm.s32 $_tile_overlayer_lowered  }
0xa1: {  	s22 =	simm.s32 $0x1BFF;
	s21 =	sshll.u32 s7, $0x1;
	s4 =	sadd.s32 s5, s19  }
0xa2: {  	s8 =	simm.s32 $0x0;
	s20 =	sshll.u32 s6, $0x1;
	s6 =	sadd.s32 s21, s4  }
0xa3: {  	[timem:s8], [sflag:s22] =	dma.local [hbm:s6], s20  }
0xa4: {  	_ =	swait.ge [sflag:s22], s20  }
0xa5: {  	s5 =	ssub.s32 $0x0, s20;
	[sflag:s22] =	ssyncset.done $0x0  }
0xa6: {  	[sflag:s22] =	ssyncadd.s32 s5;
	_ =	sdelay $0x1  }
0xa7: {  	s23 =	simm.s32 $0x1B8B  }
0xa8: {  	_ =	swait.ge [sflag:s23], $0x1  }
0xa9: {  	[sflag:s23] =	ssyncset.done $0x0  }
0xaa: {  	s25 =	simm.s32 $0x1B8E;
	s24 =	sld [smem:$0x3FFE];
	[sflag:s23] =	ssyncadd.s32 $0xFFFFFFFF  }
0xab: {  	s26 =	simm.s32 $execute0_lowered;
	[smem:$0x3FD2] =	sst s25  }
0xac: {  	s6 =	sshll.u32 s26, $0x1;
	_ =	strace $0x80000046;
	[dreg:$0x1] =	wrdreg $0xFFFFFFFF  }
0xad: {  	s28 =	simm.s32 $_size_execute0_lowered;
	s4 =	sadd.s32 s4, s6;
	[dreg:$0x0] =	wrdreg $0x0  }
0xae: {  	s6 =	sshll.u32 s28, $0x1;
	[dreg:$0x2] =	wrdreg s4  }
0xaf: {  	[dreg:$0x3] =	wrdreg s6  }
0xb0: {  	[dreg:$0x4] =	wrdreg $0xC0  }
0xb1: {  	_ =	task [dreg:s8], $0x5FFFF  }
0xb2: {  	[dreg:$0x1] =	wrdreg $0xFFFFFFFF  }
0xb3: {  	[dreg:$0x0] =	wrdreg $0x60  }
0xb4: {  	[dreg:$0x2] =	wrdreg s24  }
0xb5: {  	[dreg:$0x3] =	wrdreg s16  }
0xb6: {  	[dreg:$0x4] =	wrdreg s17  }
0xb7: {  	[dreg:$0x5] =	wrdreg $0x9  }
0xb8: {  	_ =	task.clear_ibuf [dreg:s8], $0x6FFFF;
	_ =	strace $0x90000046  }
0xb9: {  	s29 =	simm.s32 $0x9;
	_ =	strace $0x80000048  }
0xba: {  	_ =	swait.ge [sflag:s29], $0x1  }
0xbb: {  	[sflag:s29] =	ssyncadd.s32 $0xFFFFFFFF  }
0xbc: {  	_ =	strace $0x90000048  }
0xbd: {  	_ =	sfence  }
0xbe: {  	s30 =	sld [smem:$0x0];
	_ =	sdelay $0x2  }
0xbf: {  	s31 =	sshll.u32 s1, $0xD;
	s1 =	sshrl.u32 s1, $0x2  }
0xc0: {  	s3 =	sand.u32 $0x4000, s31;
	s1 =	sadd.s32 s1, s30  }
0xc1: {  	s0 =	sor.u32 s3, s0;
	s1 =	sshll.u32 s1, $0x11  }
0xc2: {  	s0 =	sor.u32 s1, s0  }
0xc3: {  	s0 =	sadd.s32 $0x8F2B, s0  }
0xc4: {  	[sflag:s0] =	ssyncadd.remote.s32 $0x1  }
0xc5: {  	_ =	sfence.sel $0xFFFF  }
0xc6: {  	[dreg:$0x0] =	wrdreg $0xFFFFFFFF;
	(pc) =	sbr.abs _section_cstart, $3  }
0xc7: {  	[dreg:$0x1] =	wrdreg $0xFFFFFFFF  }
0xc8: {  	_ =	task.clear_ibuf [dreg:s8], $0x2FFFF;
	_ =	strace $0x9FFFFFFF  }
0xc9: {  	(tm) =	ssettm $0x7FFFFFFF  }
tec
execute0_lowered:
.L_overlay_start_1:
0x0: {  	(tag) =	ssettag $0x1  }
0x1: {  	s3 =	rddreg [dreg:$0x0]  }
0x2: {  	s4 =	rddreg [dreg:$0x1]  }
0x3: {  	s1 =	srdreg.scid;
	s0 =	stileid.u32  }
0x4: {  	s5 =	rddreg [dreg:$0x2];
	s6 =	sand.u32 $0x1, s1;
	s7 =	sshll.u32 s0, $0x1  }
0x5: {  	s2 =	simm.s32 $0x0;
	s10 =	simm.s32 $0x0;
	s7 =	sor.u32 s6, s7  }
0x6: {  	s1 =	rddreg [dreg:$0x3];
	s6 =	ssub.s32 $0x2, s6;
	s8 =	smul.u32 $0x280, s7  }
0x7: {  	[smem:$0x7FF] =	sst s2;
	s9 =	sshrl.u32 s6, $0x1;
	s7 =	smul.u32 $0x1400, s7  }
0x8: {  	s3 =	sadd.s32 $0x1800, s3;
	_ =	strace $0x80000047;
	s6 =	ssub.s32 s6, s9  }
0x9: {  	s9 =	simm.s32 $0xFE80;
	s4 =	sadd.s32 s4, s8;
	s5 =	sadd.s32 s5, s7  }
0xa: {  	s6 =	smax.u32 s6, $0x1;
	s7 =	simm.s32 $0x1;
	s8 =	simm.s32 $0xEA80  }
.LBB2_1:
0xb: {  	[tilespmem:s2], [sflag:$0x1] =	stream.linear.gather [hbm4b:s3+s2], $0xEA80, $0x38;
	[tilespmem:$0x19E80] =	vst v63  }
0xc: {  	_ =	swait.ge [sflag:s7], $0xEA80  }
0xd: {  	[sflag:s7] =	ssyncset.done $0x0  }
0xe: {  	[sflag:s7] =	ssyncadd.s32 $0xFFFF1580  }
0xf: {  	[tilespmem:s8], [sflag:$0x1] =	stream.linear.gather [hbm4b:s4+s2], $0x1400, $0x38;
	[tilespmem:$0x19E80] =	vst v63  }
0x10: {  	_ =	swait.ge [sflag:s7], $0x1400  }
0x11: {  	[sflag:s7] =	ssyncset.done $0x0  }
0x12: {  	s11 =	simm.s32 $0x0;
	[sflag:s7] =	ssyncadd.s32 $0xFFFFEC00  }
.LBB2_2:
0x13: {  	v0 =	vld [tilespmem:s11+$0xEA80]  }
0x14: {  	v2 =	vld [tilespmem:s11+$0xEA90]  }
0x15: {  	v6 =	vld [tilespmem:s11+$0xEAA0]  }
0x16: {  	v42 =	vld [tilespmem:s11+$0xEAB0]  }
0x17: {  	v51 =	vld [tilespmem:s11+$0xEAD0]  }
0x18: {  	v13 =	vld [tilespmem:s11+$0xEAE0];
	v0 =	vmul.u32 $0x6, v0  }
0x19: {  	v59 =	vld [tilespmem:s11+$0xEAF0];
	v38 =	vmul.u32 $0x6, v2  }
0x1a: {  	v6 =	vmul.u32 $0x6, v6  }
0x1b: {  	v8 =	vmul.u32 $0x6, v42  }
0x1c: {  	v54 =	vmul.u32 $0x6, v51  }
0x1d: {  	v49 =	vld [tilespmem:s11+$0xEAC0];
	v57 =	vmul.u32 $0x6, v13  }
0x1e: {  	v63 =	vmul.u32 $0x6, v59;
	v1 =	vld.idx.msk [tilespmem:v0+s2+$0x0], $0xffff  }
0x1f: {  	v41 =	vld.idx.msk [tilespmem:v38+s2+$0x0], $0xffff  }
0x20: {  	v50 =	vld.idx.msk [tilespmem:v6+s2+$0x0], $0xffff  }
0x21: {  	s14 =	sshrl.u32 s11, $0x7;
	v3 =	vor.u32 $0x1, v0;
	v10 =	vld.idx.msk [tilespmem:v8+s2+$0x0], $0xffff  }
0x22: {  	s12 =	sshll.u32 s11, $0x3;
	s13 =	sor.u32 $0x1, s14;
	v4 =	vor.u32 $0x1, v38;
	v15 =	vld.idx.msk [tilespmem:v54+s2+$0x0], $0xffff  }
0x23: {  	s12 =	sand.u32 $0x3FFFFFF8, s12;
	s15 =	sshll.u32 s13, $0x7;
	v9 =	vor.u32 $0x1, v6;
	v17 =	vld.idx.msk [tilespmem:v57+s2+$0x0], $0xffff  }
0x24: {  	s15 =	sand.u32 $0x3FFFFF80, s15;
	v11 =	vor.u32 $0x1, v8;
	v31 =	vld.idx.msk [tilespmem:v63+s2+$0x0], $0xffff;
	[tilespmem:s12+$0xFE80] =	vst v1  }
0x25: {  	v16 =	vor.u32 $0x1, v54;
	[tilespmem:s12+$0xFE90] =	vst v41;
	v41 =	vld [tilespmem:s15+$0xEA80]  }
0x26: {  	v33 =	vor.u32 $0x1, v63;
	v39 =	vld.idx.msk [tilespmem:v3+s2+$0x0], $0xffff  }
0x27: {  	[tilespmem:s12+$0xFEA0] =	vst v50;
	v43 =	vld.idx.msk [tilespmem:v4+s2+$0x0], $0xffff  }
0x28: {  	v40 =	vadd.s32 $0x2, v0;
	[tilespmem:s12+$0xFEB0] =	vst v10;
	v52 =	vld.idx.msk [tilespmem:v9+s2+$0x0], $0xffff  }
0x29: {  	v45 =	vadd.s32 $0x2, v38;
	[tilespmem:s12+$0xFED0] =	vst v15;
	v55 =	vld.idx.msk [tilespmem:v11+s2+$0x0], $0xffff  }
0x2a: {  	v48 =	vadd.s32 $0x3, v38;
	[tilespmem:s12+$0xFEF0] =	vst v31;
	v27 =	vld.idx.msk [tilespmem:v16+s2+$0x0], $0xffff  }
0x2b: {  	v12 =	vadd.s32 $0x4, v38;
	v28 =	vadd.s32 $0x2, v54;
	v1 =	vadd.s32 $0x5, v38;
	v38 =	vld.idx.msk [tilespmem:v33+s2+$0x0], $0xffff;
	[tilespmem:s12+$0xFF00] =	vst v39  }
0x2c: {  	[tilespmem:s12+$0xFF10] =	vst v43;
	v43 =	vld [tilespmem:s15+$0xEA90]  }
0x2d: {  	v3 =	vld.idx.msk [tilespmem:v40+s2+$0x0], $0xffff;
	v40 =	vadd.s32 $0x2, v63  }
0x2e: {  	v5 =	vadd.s32 $0x3, v0;
	[tilespmem:s12+$0xFF20] =	vst v52;
	v46 =	vld.idx.msk [tilespmem:v45+s2+$0x0], $0xffff  }
0x2f: {  	[tilespmem:s12+$0xFF50] =	vst v27;
	v52 =	vld [tilespmem:s15+$0xEAA0]  }
0x30: {  	v56 =	vadd.s32 $0x2, v8;
	[tilespmem:s12+$0xFF30] =	vst v55;
	v34 =	vld.idx.msk [tilespmem:v28+s2+$0x0], $0xffff  }
0x31: {  	v36 =	vadd.s32 $0x3, v54;
	[tilespmem:s12+$0xFF70] =	vst v38;
	v55 =	vld [tilespmem:s15+$0xEAB0]  }
0x32: {  	[tilespmem:s12+$0xFF80] =	vst v3;
	v45 =	vld.idx.msk [tilespmem:v40+s2+$0x0], $0xffff  }
0x33: {  	[tilespmem:s12+$0xFF90] =	vst v46;
	v44 =	vld.idx.msk [tilespmem:v5+s2+$0x0], $0xffff  }
0x34: {  	v7 =	vadd.s32 $0x4, v0;
	v4 =	vld.idx.msk [tilespmem:v48+s2+$0x0], $0xffff  }
0x35: {  	v10 =	vld.idx.msk [tilespmem:v56+s2+$0x0], $0xffff;
	[tilespmem:s12+$0xFFD0] =	vst v34;
	v5 =	vmul.u32 $0x6, v49  }
0x36: {  	v15 =	vld.idx.msk [tilespmem:v36+s2+$0x0], $0xffff;
	v49 =	vmul.u32 $0x6, v43  }
0x37: {  	v53 =	vadd.s32 $0x2, v6;
	v62 =	vor.u32 $0x1, v57;
	v30 =	vadd.s32 $0x2, v57;
	[tilespmem:s12+$0xFFF0] =	vst v45;
	v45 =	vld [tilespmem:s15+$0xEAE0]  }
0x38: {  	v37 =	vadd.s32 $0x3, v57;
	v11 =	vadd.s32 $0x5, v57;
	[tilespmem:s12+$0x10000] =	vst v44;
	v44 =	vadd.s32 $0x4, v57;
	v57 =	vld [tilespmem:s15+$0xEAC0]  }
0x39: {  	v19 =	vadd.s32 $0x4, v54;
	[tilespmem:s12+$0x10010] =	vst v4;
	v47 =	vld.idx.msk [tilespmem:v7+s2+$0x0], $0xffff  }
0x3a: {  	v4 =	vld.idx.msk [tilespmem:v12+s2+$0x0], $0xffff  }
0x3b: {  	v61 =	vadd.s32 $0x3, v8;
	v58 =	vld.idx.msk [tilespmem:v5+s2+$0x0], $0xffff  }
0x3c: {  	v9 =	vadd.s32 $0x5, v54;
	v54 =	vld.idx.msk [tilespmem:v49+s2+$0x0], $0xffff  }
0x3d: {  	v0 =	vadd.s32 $0x5, v0;
	[tilespmem:s12+$0x10050] =	vst v15;
	v7 =	vld.idx.msk [tilespmem:v53+s2+$0x0], $0xffff  }
0x3e: {  	v56 =	vadd.s32 $0x4, v63;
	[tilespmem:s12+$0xFFB0] =	vst v10;
	v50 =	vld.idx.msk [tilespmem:v19+s2+$0x0], $0xffff  }
0x3f: {  	s13 =	sshll.u32 s13, $0xA;
	v46 =	vadd.s32 $0x3, v63;
	v60 =	vor.u32 $0x1, v5;
	v12 =	vadd.s32 $0x5, v63;
	v63 =	vld [tilespmem:s15+$0xEAD0];
	[tilespmem:s12+$0x10080] =	vst v47  }
0x40: {  	s13 =	sand.u32 $0x3FFFFC00, s13;
	v14 =	vadd.s32 $0x3, v6;
	[tilespmem:s12+$0x10090] =	vst v4;
	v4 =	vld.idx.msk [tilespmem:v61+s2+$0x0], $0xffff  }
0x41: {  	[tilespmem:s13+$0xFE90] =	vst v54;
	v54 =	vld [tilespmem:s15+$0xEAF0]  }
0x42: {  	v0 =	vld.idx.msk [tilespmem:v0+s2+$0x0], $0xffff  }
0x43: {  	[tilespmem:s12+$0xFEC0] =	vst v58;
	v58 =	vor.u32 $0x1, v49;
	v2 =	vld.idx.msk [tilespmem:v1+s2+$0x0], $0xffff  }
0x44: {  	s17 =	sor.u32 $0x2, s14;
	[tilespmem:s12+$0xFFA0] =	vst v7;
	v24 =	vld.idx.msk [tilespmem:v60+s2+$0x0], $0xffff  }
0x45: {  	s26 =	sshll.u32 s17, $0x7;
	v29 =	vadd.s32 $0x4, v8;
	[tilespmem:s12+$0xFEE0] =	vst v17;
	v47 =	vmul.u32 $0x6, v41;
	v7 =	vld.idx.msk [tilespmem:v14+s2+$0x0], $0xffff  }
0x46: {  	s16 =	sand.u32 $0x3FFFFF80, s26;
	v61 =	vmul.u32 $0x6, v55;
	v1 =	vld.idx.msk [tilespmem:v62+s2+$0x0], $0xffff  }
0x47: {  	v62 =	vmul.u32 $0x6, v57;
	v57 =	vld [tilespmem:s16+$0xEA90]  }
0x48: {  	v25 =	vadd.s32 $0x2, v5;
	v13 =	vld.idx.msk [tilespmem:v58+s2+$0x0], $0xffff  }
0x49: {  	[tilespmem:s12+$0x10030] =	vst v4;
	v58 =	vld [tilespmem:s16+$0xEAA0]  }
0x4a: {  	v26 =	vadd.s32 $0x4, v6;
	v15 =	vmul.u32 $0x6, v52;
	v35 =	vld.idx.msk [tilespmem:v29+s2+$0x0], $0xffff  }
0x4b: {  	v51 =	vld.idx.msk [tilespmem:v47+s2+$0x0], $0xffff  }
0x4c: {  	[tilespmem:s12+$0xFF40] =	vst v24;
	v22 =	vld.idx.msk [tilespmem:v61+s2+$0x0], $0xffff  }
0x4d: {  	[tilespmem:s12+$0xFF60] =	vst v1;
	v24 =	vadd.s32 $0x2, v49;
	v32 =	vld.idx.msk [tilespmem:v25+s2+$0x0], $0xffff  }
0x4e: {  	v8 =	vadd.s32 $0x5, v8;
	[tilespmem:s12+$0x10020] =	vst v7;
	v1 =	vld.idx.msk [tilespmem:v30+s2+$0x0], $0xffff  }
0x4f: {  	v14 =	vld.idx.msk [tilespmem:v26+s2+$0x0], $0xffff  }
0x50: {  	v53 =	vor.u32 $0x1, v47;
	v29 =	vmul.u32 $0x6, v63;
	v25 =	vld.idx.msk [tilespmem:v15+s2+$0x0], $0xffff;
	[tilespmem:s13+$0xFF10] =	vst v13  }
0x51: {  	v23 =	vld.idx.msk [tilespmem:v62+s2+$0x0], $0xffff;
	[tilespmem:s12+$0x100B0] =	vst v35  }
0x52: {  	v18 =	vadd.s32 $0x3, v5;
	[tilespmem:s13+$0xFE80] =	vst v51;
	v30 =	vld.idx.msk [tilespmem:v24+s2+$0x0], $0xffff  }
0x53: {  	[tilespmem:s12+$0xFFE0] =	vst v1;
	v1 =	vld.idx.msk [tilespmem:v8+s2+$0x0], $0xffff  }
0x54: {  	v6 =	vadd.s32 $0x5, v6;
	[tilespmem:s12+$0x100A0] =	vst v14;
	v14 =	vld.idx.msk [tilespmem:v46+s2+$0x0], $0xffff  }
0x55: {  	v26 =	vor.u32 $0x1, v15;
	v59 =	vld.idx.msk [tilespmem:v53+s2+$0x0], $0xffff  }
0x56: {  	[tilespmem:s12+$0xFFC0] =	vst v32;
	v38 =	vld.idx.msk [tilespmem:v29+s2+$0x0], $0xffff  }
0x57: {  	v39 =	vld.idx.msk [tilespmem:v18+s2+$0x0], $0xffff  }
0x58: {  	v20 =	vld.idx.msk [tilespmem:v37+s2+$0x0], $0xffff  }
0x59: {  	[tilespmem:s13+$0xFEA0] =	vst v25;
	v3 =	vld.idx.msk [tilespmem:v6+s2+$0x0], $0xffff  }
0x5a: {  	v42 =	vadd.s32 $0x4, v5;
	v32 =	vld.idx.msk [tilespmem:v26+s2+$0x0], $0xffff;
	[tilespmem:s12+$0x10070] =	vst v14  }
0x5b: {  	v34 =	vadd.s32 $0x2, v15;
	[tilespmem:s13+$0xFF00] =	vst v59;
	v59 =	vld [tilespmem:s16+$0xEAB0]  }
0x5c: {  	v27 =	vor.u32 $0x1, v61;
	[tilespmem:s12+$0x10040] =	vst v39;
	v14 =	vld.idx.msk [tilespmem:v56+s2+$0x0], $0xffff  }
0x5d: {  	[tilespmem:s12+$0x10060] =	vst v20;
	v39 =	vor.u32 $0x1, v29;
	v56 =	vld [tilespmem:s16+$0xEA80]  }
0x5e: {  	[tilespmem:s13+$0xFEB0] =	vst v22;
	v7 =	vld.idx.msk [tilespmem:v44+s2+$0x0], $0xffff  }
0x5f: {  	v28 =	vor.u32 $0x1, v62;
	[tilespmem:s13+$0xFF20] =	vst v32;
	v48 =	vld.idx.msk [tilespmem:v42+s2+$0x0], $0xffff  }
0x60: {  	[tilespmem:s13+$0xFED0] =	vst v38;
	v20 =	vld.idx.msk [tilespmem:v34+s2+$0x0], $0xffff  }
0x61: {  	v5 =	vadd.s32 $0x5, v5;
	[tilespmem:s12+$0x100F0] =	vst v14;
	v14 =	vld.idx.msk [tilespmem:v27+s2+$0x0], $0xffff  }
0x62: {  	s29 =	sor.u32 $0x3, s14;
	[tilespmem:s13+$0xFEC0] =	vst v23;
	v18 =	vld.idx.msk [tilespmem:v39+s2+$0x0], $0xffff  }
0x63: {  	s14 =	sshll.u32 s29, $0x7;
	v60 =	vadd.s32 $0x2, v47;
	[tilespmem:s12+$0x100E0] =	vst v7;
	v7 =	vld.idx.msk [tilespmem:v12+s2+$0x0], $0xffff  }
0x64: {  	s14 =	sand.u32 $0x3FFFFF80, s14;
	v12 =	vld.idx.msk [tilespmem:v28+s2+$0x0], $0xffff  }
0x65: {  	v24 =	vadd.s32 $0x3, v15;
	[tilespmem:s12+$0x100C0] =	vst v48;
	v28 =	vld [tilespmem:s14+$0xEA90]  }
0x66: {  	[tilespmem:s12+$0x100D0] =	vst v50;
	v36 =	vadd.s32 $0x2, v61;
	v4 =	vld.idx.msk [tilespmem:v5+s2+$0x0], $0xffff  }
0x67: {  	v43 =	vadd.s32 $0x2, v29;
	v5 =	vld.idx.msk [tilespmem:v9+s2+$0x0], $0xffff  }
0x68: {  	v31 =	vadd.s32 $0x3, v49;
	[tilespmem:s13+$0xFF90] =	vst v30;
	v9 =	vld.idx.msk [tilespmem:v60+s2+$0x0], $0xffff  }
0x69: {  	v37 =	vadd.s32 $0x2, v62;
	[tilespmem:s13+$0xFFA0] =	vst v20;
	v6 =	vld.idx.msk [tilespmem:v11+s2+$0x0], $0xffff  }
0x6a: {  	v21 =	vadd.s32 $0x3, v47;
	v44 =	vld.idx.msk [tilespmem:v24+s2+$0x0], $0xffff;
	[tilespmem:s13+$0xFF30] =	vst v14  }
0x6b: {  	v46 =	vadd.s32 $0x4, v15;
	[tilespmem:s13+$0xFF50] =	vst v18;
	v14 =	vld.idx.msk [tilespmem:v36+s2+$0x0], $0xffff  }
0x6c: {  	[tilespmem:s13+$0xFF40] =	vst v12;
	v20 =	vld.idx.msk [tilespmem:v43+s2+$0x0], $0xffff  }
0x6d: {  	v41 =	vadd.s32 $0x3, v61;
	[tilespmem:s13+$0xFF80] =	vst v9;
	v9 =	vld.idx.msk [tilespmem:v31+s2+$0x0], $0xffff  }
0x6e: {  	v40 =	vadd.s32 $0x4, v49;
	v17 =	vld.idx.msk [tilespmem:v37+s2+$0x0], $0xffff  }
0x6f: {  	v42 =	vadd.s32 $0x3, v62;
	[tilespmem:s13+$0x10020] =	vst v44;
	v33 =	vld.idx.msk [tilespmem:v21+s2+$0x0], $0xffff  }
0x70: {  	v35 =	vadd.s32 $0x4, v47;
	v51 =	vld.idx.msk [tilespmem:v46+s2+$0x0], $0xffff;
	[tilespmem:s13+$0xFFB0] =	vst v14;
	v14 =	vmul.u32 $0x6, v45  }
0x71: {  	[tilespmem:s13+$0xFFD0] =	vst v20;
	v20 =	vmul.u32 $0x6, v59;
	v59 =	vld [tilespmem:s16+$0xEAD0]  }
0x72: {  	[tilespmem:s13+$0x10010] =	vst v9;
	v12 =	vld.idx.msk [tilespmem:v41+s2+$0x0], $0xffff  }
0x73: {  	v10 =	vadd.s32 $0x5, v47;
	v47 =	vadd.s32 $0x4, v61;
	[tilespmem:s13+$0xFFC0] =	vst v17;
	v17 =	vmul.u32 $0x6, v57;
	v19 =	vld.idx.msk [tilespmem:v40+s2+$0x0], $0xffff  }
0x74: {  	[tilespmem:s13+$0x10000] =	vst v33;
	v48 =	vld.idx.msk [tilespmem:v42+s2+$0x0], $0xffff  }
0x75: {  	v8 =	vadd.s32 $0x5, v49;
	v21 =	vld.idx.msk [tilespmem:v35+s2+$0x0], $0xffff  }
0x76: {  	v49 =	vadd.s32 $0x4, v62;
	v55 =	vld.idx.msk [tilespmem:v14+s2+$0x0], $0xffff  }
0x77: {  	[tilespmem:s13+$0x10030] =	vst v12;
	v36 =	vld.idx.msk [tilespmem:v20+s2+$0x0], $0xffff  }
0x78: {  	v50 =	vadd.s32 $0x3, v29;
	v12 =	vld.idx.msk [tilespmem:v47+s2+$0x0], $0xffff  }
0x79: {  	v25 =	vor.u32 $0x1, v14;
	[tilespmem:s13+$0x10090] =	vst v19;
	v32 =	vld.idx.msk [tilespmem:v17+s2+$0x0], $0xffff  }
0x7a: {  	v37 =	vor.u32 $0x1, v20;
	[tilespmem:s13+$0x10040] =	vst v48;
	v8 =	vld.idx.msk [tilespmem:v8+s2+$0x0], $0xffff  }
0x7b: {  	v11 =	vadd.s32 $0x5, v61;
	v19 =	vmul.u32 $0x6, v54;
	[tilespmem:s13+$0x10080] =	vst v21;
	v52 =	vld.idx.msk [tilespmem:v49+s2+$0x0], $0xffff  }
0x7c: {  	s28 =	sshll.u32 s17, $0xA;
	[tilespmem:s12+$0x10100] =	vst v0;
	v9 =	vld.idx.msk [tilespmem:v10+s2+$0x0], $0xffff  }
0x7d: {  	s15 =	sand.u32 $0x3FFFFC00, s28;
	v15 =	vadd.s32 $0x5, v15;
	v10 =	vld.idx.msk [tilespmem:v50+s2+$0x0], $0xffff;
	[tilespmem:s13+$0xFEE0] =	vst v55  }
0x7e: {  	v16 =	vadd.s32 $0x5, v62;
	[tilespmem:s15+$0xFEB0] =	vst v36;
	v60 =	vld.idx.msk [tilespmem:v25+s2+$0x0], $0xffff  }
0x7f: {  	v53 =	vadd.s32 $0x4, v29;
	[tilespmem:s13+$0x100B0] =	vst v12;
	v24 =	vld.idx.msk [tilespmem:v37+s2+$0x0], $0xffff  }
0x80: {  	[tilespmem:s13+$0x100A0] =	vst v51;
	v11 =	vld.idx.msk [tilespmem:v11+s2+$0x0], $0xffff  }
0x81: {  	v61 =	vadd.s32 $0x2, v14;
	[tilespmem:s13+$0x100C0] =	vst v52;
	v62 =	vld.idx.msk [tilespmem:v19+s2+$0x0], $0xffff  }
0x82: {  	[tilespmem:s13+$0x10050] =	vst v10;
	v10 =	vld.idx.msk [tilespmem:v15+s2+$0x0], $0xffff  }
0x83: {  	[tilespmem:s12+$0x10110] =	vst v2;
	v63 =	vor.u32 $0x1, v19;
	v12 =	vld.idx.msk [tilespmem:v16+s2+$0x0], $0xffff  }
0x84: {  	[tilespmem:s12+$0x10130] =	vst v1;
	v15 =	vmul.u32 $0x6, v56;
	v18 =	vld.idx.msk [tilespmem:v53+s2+$0x0], $0xffff  }
0x85: {  	v16 =	vmul.u32 $0x6, v58;
	v53 =	vld [tilespmem:s16+$0xEAC0];
	[tilespmem:s13+$0xFF60] =	vst v60  }
0x86: {  	[tilespmem:s12+$0x10140] =	vst v4;
	v34 =	vld.idx.msk [tilespmem:v61+s2+$0x0], $0xffff  }
0x87: {  	v33 =	vor.u32 $0x1, v17;
	v4 =	vmul.u32 $0x6, v59;
	[tilespmem:s13+$0xFEF0] =	vst v62;
	v61 =	vld [tilespmem:s16+$0xEAE0]  }
0x88: {  	[tilespmem:s12+$0x10120] =	vst v3;
	v23 =	vld.idx.msk [tilespmem:v63+s2+$0x0], $0xffff  }
0x89: {  	v13 =	vadd.s32 $0x5, v29;
	[tilespmem:s12+$0x10170] =	vst v7;
	v63 =	vld [tilespmem:s16+$0xEAF0]  }
0x8a: {  	[tilespmem:s12+$0x10150] =	vst v5;
	v27 =	vadd.s32 $0x3, v14;
	v30 =	vld.idx.msk [tilespmem:v15+s2+$0x0], $0xffff  }
0x8b: {  	v38 =	vadd.s32 $0x2, v19;
	[tilespmem:s15+$0xFE90] =	vst v32;
	v26 =	vld.idx.msk [tilespmem:v16+s2+$0x0], $0xffff  }
0x8c: {  	v31 =	vor.u32 $0x1, v15;
	[tilespmem:s13+$0x100D0] =	vst v18;
	v18 =	vld.idx.msk [tilespmem:v33+s2+$0x0], $0xffff  }
0x8d: {  	v35 =	vor.u32 $0x1, v16;
	[tilespmem:s15+$0xFF30] =	vst v24;
	v33 =	vld.idx.msk [tilespmem:v4+s2+$0x0], $0xffff  }
0x8e: {  	v40 =	vadd.s32 $0x2, v17;
	v57 =	vmul.u32 $0x6, v53;
	v13 =	vld.idx.msk [tilespmem:v13+s2+$0x0], $0xffff;
	[tilespmem:s13+$0xFFE0] =	vst v34  }
0x8f: {  	v42 =	vadd.s32 $0x4, v14;
	v27 =	vld.idx.msk [tilespmem:v27+s2+$0x0], $0xffff;
	[tilespmem:s13+$0xFF70] =	vst v23  }
0x90: {  	v39 =	vadd.s32 $0x2, v15;
	v45 =	vadd.s32 $0x3, v15;
	v34 =	vor.u32 $0x1, v4;
	[tilespmem:s15+$0xFE80] =	vst v30;
	v25 =	vld.idx.msk [tilespmem:v38+s2+$0x0], $0xffff  }
0x91: {  	v51 =	vadd.s32 $0x4, v15;
	v62 =	vadd.s32 $0x5, v15;
	v15 =	vmul.u32 $0x6, v63;
	[tilespmem:s15+$0xFEA0] =	vst v26;
	v0 =	vld.idx.msk [tilespmem:v31+s2+$0x0], $0xffff  }
0x92: {  	[tilespmem:s15+$0xFF10] =	vst v18;
	v21 =	vld.idx.msk [tilespmem:v35+s2+$0x0], $0xffff  }
0x93: {  	v43 =	vadd.s32 $0x2, v20;
	[tilespmem:s13+$0x10130] =	vst v11;
	v2 =	vld.idx.msk [tilespmem:v40+s2+$0x0], $0xffff  }
0x94: {  	v44 =	vadd.s32 $0x3, v19;
	[tilespmem:s15+$0xFED0] =	vst v33;
	v24 =	vld.idx.msk [tilespmem:v57+s2+$0x0], $0xffff  }
0x95: {  	v11 =	vld.idx.msk [tilespmem:v34+s2+$0x0], $0xffff;
	[tilespmem:s13+$0x10060] =	vst v27  }
0x96: {  	[tilespmem:s12+$0x10160] =	vst v6;
	v23 =	vld.idx.msk [tilespmem:v42+s2+$0x0], $0xffff  }
0x97: {  	v41 =	vadd.s32 $0x2, v16;
	[tilespmem:s13+$0xFFF0] =	vst v25;
	v37 =	vld.idx.msk [tilespmem:v15+s2+$0x0], $0xffff  }
0x98: {  	v46 =	vadd.s32 $0x3, v17;
	v31 =	vmul.u32 $0x6, v28;
	[tilespmem:s15+$0xFF00] =	vst v0;
	v0 =	vld.idx.msk [tilespmem:v43+s2+$0x0], $0xffff  }
0x99: {  	[tilespmem:s13+$0x10150] =	vst v13;
	v18 =	vld.idx.msk [tilespmem:v44+s2+$0x0], $0xffff  }
0x9a: {  	v14 =	vadd.s32 $0x5, v14;
	[tilespmem:s15+$0xFEC0] =	vst v24;
	v24 =	vld [tilespmem:s14+$0xEAE0]  }
0x9b: {  	v38 =	vor.u32 $0x1, v15;
	[tilespmem:s15+$0xFF20] =	vst v21;
	v26 =	vld.idx.msk [tilespmem:v39+s2+$0x0], $0xffff  }
0x9c: {  	[tilespmem:s15+$0xFF90] =	vst v2;
	v44 =	vadd.s32 $0x2, v4;
	v22 =	vld.idx.msk [tilespmem:v41+s2+$0x0], $0xffff  }
0x9d: {  	v48 =	vadd.s32 $0x3, v20;
	v50 =	vld.idx.msk [tilespmem:v46+s2+$0x0], $0xffff;
	[tilespmem:s13+$0x100E0] =	vst v23  }
0x9e: {  	v49 =	vadd.s32 $0x4, v19;
	v41 =	vld.idx.msk [tilespmem:v31+s2+$0x0], $0xffff;
	[tilespmem:s15+$0xFEF0] =	vst v37  }
0x9f: {  	[tilespmem:s15+$0xFFB0] =	vst v0;
	v0 =	vld.idx.msk [tilespmem:v14+s2+$0x0], $0xffff  }
0xa0: {  	[tilespmem:s15+$0xFF50] =	vst v11;
	v13 =	vld.idx.msk [tilespmem:v38+s2+$0x0], $0xffff  }
0xa1: {  	v47 =	vadd.s32 $0x3, v16;
	[tilespmem:s13+$0x10070] =	vst v18;
	v18 =	vld.idx.msk [tilespmem:v44+s2+$0x0], $0xffff  }
0xa2: {  	v52 =	vadd.s32 $0x4, v17;
	[tilespmem:s13+$0x10110] =	vst v8;
	v25 =	vld.idx.msk [tilespmem:v48+s2+$0x0], $0xffff  }
0xa3: {  	[tilespmem:s13+$0x10100] =	vst v9;
	v42 =	vor.u32 $0x1, v31;
	v14 =	vmul.u32 $0x6, v61;
	v2 =	vld.idx.msk [tilespmem:v49+s2+$0x0], $0xffff  }
0xa4: {  	[tilespmem:s15+$0xFF80] =	vst v26;
	v26 =	vld [tilespmem:s14+$0xEA80]  }
0xa5: {  	s30 =	sshll.u32 s29, $0xA;
	v46 =	vadd.s32 $0x2, v15;
	[tilespmem:s15+$0xFFA0] =	vst v22;
	v21 =	vld.idx.msk [tilespmem:v45+s2+$0x0], $0xffff  }
0xa6: {  	s12 =	sand.u32 $0x3FFFFC00, s30;
	[tilespmem:s15+$0x10010] =	vst v50;
	v50 =	vadd.s32 $0x3, v4;
	v22 =	vld.idx.msk [tilespmem:v47+s2+$0x0], $0xffff  }
0xa7: {  	[tilespmem:s12+$0xFE90] =	vst v41;
	v56 =	vld.idx.msk [tilespmem:v52+s2+$0x0], $0xffff  }
0xa8: {  	v55 =	vadd.s32 $0x4, v20;
	[tilespmem:s13+$0x10120] =	vst v10;
	v10 =	vld.idx.msk [tilespmem:v42+s2+$0x0], $0xffff  }
0xa9: {  	v60 =	vadd.s32 $0x5, v19;
	[tilespmem:s15+$0xFF70] =	vst v13;
	v35 =	vld.idx.msk [tilespmem:v14+s2+$0x0], $0xffff  }
0xaa: {  	v27 =	vadd.s32 $0x5, v20;
	[tilespmem:s15+$0xFFD0] =	vst v18;
	v20 =	vld.idx.msk [tilespmem:v46+s2+$0x0], $0xffff  }
0xab: {  	[tilespmem:s13+$0x10140] =	vst v12;
	v13 =	vld.idx.msk [tilespmem:v50+s2+$0x0], $0xffff  }
0xac: {  	v54 =	vadd.s32 $0x4, v16;
	[tilespmem:s15+$0x10030] =	vst v25;
	v30 =	vmul.u32 $0x6, v26;
	v26 =	vld [tilespmem:s14+$0xEAF0]  }
0xad: {  	v23 =	vadd.s32 $0x5, v17;
	[tilespmem:s13+$0x100F0] =	vst v2;
	v58 =	vld.idx.msk [tilespmem:v55+s2+$0x0], $0xffff  }
0xae: {  	v48 =	vadd.s32 $0x2, v31;
	[tilespmem:s13+$0x10160] =	vst v0;
	v5 =	vld.idx.msk [tilespmem:v60+s2+$0x0], $0xffff  }
0xaf: {  	[tilespmem:s15+$0x10000] =	vst v21;
	v21 =	vld [tilespmem:s14+$0xEAC0]  }
0xb0: {  	[tilespmem:s15+$0x10020] =	vst v22;
	v3 =	vld.idx.msk [tilespmem:v51+s2+$0x0], $0xffff  }
0xb1: {  	v29 =	vor.u32 $0x1, v57;
	[tilespmem:s15+$0x10090] =	vst v56;
	v22 =	vld.idx.msk [tilespmem:v54+s2+$0x0], $0xffff  }
0xb2: {  	v36 =	vor.u32 $0x1, v14;
	[tilespmem:s12+$0xFF10] =	vst v10;
	v7 =	vld.idx.msk [tilespmem:v23+s2+$0x0], $0xffff  }
0xb3: {  	v52 =	vadd.s32 $0x3, v15;
	v11 =	vld.idx.msk [tilespmem:v48+s2+$0x0], $0xffff;
	[tilespmem:s15+$0xFEE0] =	vst v35  }
0xb4: {  	v56 =	vadd.s32 $0x4, v4;
	v23 =	vld [tilespmem:s14+$0xEAD0];
	[tilespmem:s15+$0xFFF0] =	vst v20  }
0xb5: {  	[tilespmem:s15+$0x10050] =	vst v13;
	v39 =	vld.idx.msk [tilespmem:v30+s2+$0x0], $0xffff  }
0xb6: {  	v40 =	vor.u32 $0x1, v30;
	[tilespmem:s15+$0x10080] =	vst v3;
	v3 =	vld.idx.msk [tilespmem:v29+s2+$0x0], $0xffff  }
0xb7: {  	v32 =	vadd.s32 $0x2, v57;
	[tilespmem:s15+$0x100B0] =	vst v58;
	v12 =	vld.idx.msk [tilespmem:v36+s2+$0x0], $0xffff  }
0xb8: {  	v10 =	vld.idx.msk [tilespmem:v52+s2+$0x0], $0xffff;
	[tilespmem:s13+$0x10170] =	vst v5  }
0xb9: {  	v25 =	vadd.s32 $0x5, v16;
	v61 =	vld.idx.msk [tilespmem:v56+s2+$0x0], $0xffff;
	[tilespmem:s15+$0x100A0] =	vst v22  }
0xba: {  	v54 =	vadd.s32 $0x3, v31;
	v2 =	vld.idx.msk [tilespmem:v27+s2+$0x0], $0xffff;
	[tilespmem:s12+$0xFE80] =	vst v39  }
0xbb: {  	v45 =	vadd.s32 $0x2, v14;
	[tilespmem:s15+$0xFF40] =	vst v3;
	v3 =	vld.idx.msk [tilespmem:v40+s2+$0x0], $0xffff  }
0xbc: {  	v47 =	vadd.s32 $0x2, v30;
	[tilespmem:s12+$0xFF90] =	vst v11;
	v8 =	vld.idx.msk [tilespmem:v32+s2+$0x0], $0xffff  }
0xbd: {  	v43 =	vadd.s32 $0x3, v57;
	[tilespmem:s15+$0x10110] =	vst v7;
	v6 =	vld.idx.msk [tilespmem:v62+s2+$0x0], $0xffff  }
0xbe: {  	v58 =	vadd.s32 $0x4, v15;
	v9 =	vld.idx.msk [tilespmem:v25+s2+$0x0], $0xffff;
	[tilespmem:s15+$0xFF60] =	vst v12  }
0xbf: {  	v4 =	vadd.s32 $0x5, v4;
	v18 =	vld.idx.msk [tilespmem:v54+s2+$0x0], $0xffff;
	[tilespmem:s15+$0x10070] =	vst v10  }
0xc0: {  	v28 =	vmul.u32 $0x6, v23;
	v19 =	vld.idx.msk [tilespmem:v45+s2+$0x0], $0xffff;
	[tilespmem:s12+$0xFF00] =	vst v3  }
0xc1: {  	[tilespmem:s15+$0xFFC0] =	vst v8;
	v8 =	vld.idx.msk [tilespmem:v47+s2+$0x0], $0xffff  }
0xc2: {  	v53 =	vadd.s32 $0x3, v30;
	v29 =	vmul.u32 $0x6, v24;
	[tilespmem:s15+$0x100D0] =	vst v61;
	v17 =	vld.idx.msk [tilespmem:v43+s2+$0x0], $0xffff  }
0xc3: {  	v10 =	vld.idx.msk [tilespmem:v58+s2+$0x0], $0xffff;
	[tilespmem:s15+$0x10130] =	vst v2  }
0xc4: {  	v60 =	vadd.s32 $0x4, v31;
	v25 =	vadd.s32 $0x5, v31;
	v31 =	vmul.u32 $0x6, v26;
	v4 =	vld.idx.msk [tilespmem:v4+s2+$0x0], $0xffff;
	[tilespmem:s12+$0x10010] =	vst v18  }
0xc5: {  	[tilespmem:s15+$0x10100] =	vst v6;
	v18 =	vld [tilespmem:s14+$0xEAB0]  }
0xc6: {  	v51 =	vadd.s32 $0x3, v14;
	v13 =	vld.idx.msk [tilespmem:v28+s2+$0x0], $0xffff;
	[tilespmem:s12+$0xFF80] =	vst v8  }
0xc7: {  	[tilespmem:s15+$0x10040] =	vst v17;
	v17 =	vld.idx.msk [tilespmem:v53+s2+$0x0], $0xffff  }
0xc8: {  	v22 =	vadd.s32 $0x5, v15;
	[tilespmem:s15+$0x10120] =	vst v9;
	v38 =	vld.idx.msk [tilespmem:v29+s2+$0x0], $0xffff  }
0xc9: {  	v37 =	vor.u32 $0x1, v28;
	v63 =	vld.idx.msk [tilespmem:v60+s2+$0x0], $0xffff;
	[tilespmem:s15+$0xFFE0] =	vst v19  }
0xca: {  	v49 =	vadd.s32 $0x4, v57;
	v40 =	vld.idx.msk [tilespmem:v31+s2+$0x0], $0xffff;
	[tilespmem:s15+$0x100F0] =	vst v10  }
0xcb: {  	v59 =	vadd.s32 $0x4, v30;
	[tilespmem:s15+$0x10150] =	vst v4;
	v3 =	vld.idx.msk [tilespmem:v51+s2+$0x0], $0xffff  }
0xcc: {  	v39 =	vor.u32 $0x1, v29;
	[tilespmem:s12+$0x10000] =	vst v17;
	v17 =	vld [tilespmem:s14+$0xEAA0]  }
0xcd: {  	v55 =	vadd.s32 $0x5, v57;
	v57 =	vadd.s32 $0x4, v14;
	v9 =	vld.idx.msk [tilespmem:v22+s2+$0x0], $0xffff;
	[tilespmem:s12+$0xFED0] =	vst v13  }
0xce: {  	v6 =	vmul.u32 $0x6, v18;
	[tilespmem:s12+$0xFEE0] =	vst v38;
	v2 =	vld.idx.msk [tilespmem:v37+s2+$0x0], $0xffff  }
0xcf: {  	v27 =	vmul.u32 $0x6, v21;
	[tilespmem:s12+$0x10090] =	vst v63;
	v12 =	vld.idx.msk [tilespmem:v49+s2+$0x0], $0xffff  }
0xd0: {  	[tilespmem:s12+$0xFEF0] =	vst v40;
	v62 =	vld.idx.msk [tilespmem:v59+s2+$0x0], $0xffff  }
0xd1: {  	v1 =	vadd.s32 $0x5, v30;
	v4 =	vld.idx.msk [tilespmem:v39+s2+$0x0], $0xffff;
	[tilespmem:s15+$0x10060] =	vst v3;
	v5 =	vmul.u32 $0x6, v17  }
0xd2: {  	[tilespmem:s15+$0x10170] =	vst v9;
	v8 =	vld.idx.msk [tilespmem:v57+s2+$0x0], $0xffff  }
0xd3: {  	v20 =	vadd.s32 $0x5, v14;
	v30 =	vld.idx.msk [tilespmem:v25+s2+$0x0], $0xffff;
	[tilespmem:s12+$0xFF50] =	vst v2  }
0xd4: {  	v41 =	vor.u32 $0x1, v31;
	v34 =	vld.idx.msk [tilespmem:v6+s2+$0x0], $0xffff;
	[tilespmem:s15+$0x100C0] =	vst v12  }
0xd5: {  	v35 =	vor.u32 $0x1, v6;
	v12 =	vld.idx.msk [tilespmem:v27+s2+$0x0], $0xffff;
	[tilespmem:s12+$0x10080] =	vst v62  }
0xd6: {  	v36 =	vor.u32 $0x1, v27;
	[tilespmem:s12+$0xFF60] =	vst v4;
	v1 =	vld.idx.msk [tilespmem:v1+s2+$0x0], $0xffff  }
0xd7: {  	v45 =	vadd.s32 $0x2, v28;
	[tilespmem:s15+$0x100E0] =	vst v8;
	v32 =	vld.idx.msk [tilespmem:v5+s2+$0x0], $0xffff  }
0xd8: {  	[tilespmem:s12+$0x10110] =	vst v30;
	v7 =	vld.idx.msk [tilespmem:v20+s2+$0x0], $0xffff;
	v33 =	vor.u32 $0x1, v5  }
0xd9: {  	v11 =	vld.idx.msk [tilespmem:v41+s2+$0x0], $0xffff;
	[tilespmem:s12+$0xFEB0] =	vst v34  }
0xda: {  	v47 =	vadd.s32 $0x2, v31;
	v9 =	vld.idx.msk [tilespmem:v35+s2+$0x0], $0xffff;
	[tilespmem:s12+$0xFEC0] =	vst v12  }
0xdb: {  	v43 =	vadd.s32 $0x2, v6;
	[tilespmem:s12+$0x10100] =	vst v1;
	v1 =	vld.idx.msk [tilespmem:v36+s2+$0x0], $0xffff  }
0xdc: {  	v44 =	vadd.s32 $0x2, v27;
	v15 =	vld.idx.msk [tilespmem:v45+s2+$0x0], $0xffff;
	[tilespmem:s12+$0xFEA0] =	vst v32  }
0xdd: {  	v46 =	vadd.s32 $0x2, v29;
	[tilespmem:s15+$0x10160] =	vst v7;
	v7 =	vld.idx.msk [tilespmem:v33+s2+$0x0], $0xffff  }
0xde: {  	[tilespmem:s12+$0xFF70] =	vst v11;
	v19 =	vld.idx.msk [tilespmem:v55+s2+$0x0], $0xffff;
	v42 =	vadd.s32 $0x2, v5  }
0xdf: {  	v51 =	vadd.s32 $0x3, v28;
	[tilespmem:s12+$0xFF30] =	vst v9;
	v9 =	vld.idx.msk [tilespmem:v47+s2+$0x0], $0xffff  }
0xe0: {  	v53 =	vadd.s32 $0x3, v31;
	v13 =	vld.idx.msk [tilespmem:v43+s2+$0x0], $0xffff;
	[tilespmem:s12+$0xFF40] =	vst v1  }
0xe1: {  	v49 =	vadd.s32 $0x3, v6;
	[tilespmem:s12+$0xFFD0] =	vst v15;
	v14 =	vld.idx.msk [tilespmem:v44+s2+$0x0], $0xffff  }
0xe2: {  	v50 =	vadd.s32 $0x3, v27;
	[tilespmem:s12+$0xFF20] =	vst v7;
	v7 =	vld.idx.msk [tilespmem:v46+s2+$0x0], $0xffff  }
0xe3: {  	v52 =	vadd.s32 $0x3, v29;
	[tilespmem:s15+$0x10140] =	vst v19;
	v12 =	vld.idx.msk [tilespmem:v42+s2+$0x0], $0xffff  }
0xe4: {  	v11 =	vld.idx.msk [tilespmem:v51+s2+$0x0], $0xffff;
	v48 =	vadd.s32 $0x3, v5;
	[tilespmem:s12+$0xFFF0] =	vst v9  }
0xe5: {  	v57 =	vadd.s32 $0x4, v28;
	[tilespmem:s12+$0xFFB0] =	vst v13;
	v13 =	vld.idx.msk [tilespmem:v53+s2+$0x0], $0xffff  }
0xe6: {  	v59 =	vadd.s32 $0x4, v31;
	v2 =	vld.idx.msk [tilespmem:v49+s2+$0x0], $0xffff;
	[tilespmem:s12+$0xFFC0] =	vst v14  }
0xe7: {  	v55 =	vadd.s32 $0x4, v6;
	v4 =	vld.idx.msk [tilespmem:v50+s2+$0x0], $0xffff;
	[tilespmem:s12+$0xFFE0] =	vst v7  }
0xe8: {  	v56 =	vadd.s32 $0x4, v27;
	[tilespmem:s12+$0xFFA0] =	vst v12;
	v12 =	vld.idx.msk [tilespmem:v52+s2+$0x0], $0xffff  }
0xe9: {  	v58 =	vadd.s32 $0x4, v29;
	[tilespmem:s12+$0x10050] =	vst v11;
	v1 =	vld.idx.msk [tilespmem:v48+s2+$0x0], $0xffff  }
0xea: {  	v54 =	vadd.s32 $0x4, v5;
	v9 =	vld.idx.msk [tilespmem:v57+s2+$0x0], $0xffff;
	[tilespmem:s12+$0x10070] =	vst v13  }
0xeb: {  	v10 =	vadd.s32 $0x5, v28;
	[tilespmem:s12+$0x10030] =	vst v2;
	v2 =	vld.idx.msk [tilespmem:v59+s2+$0x0], $0xffff  }
0xec: {  	v3 =	vadd.s32 $0x5, v31;
	v61 =	vld.idx.msk [tilespmem:v55+s2+$0x0], $0xffff;
	[tilespmem:s12+$0x10040] =	vst v4  }
0xed: {  	v6 =	vadd.s32 $0x5, v6;
	v7 =	vld.idx.msk [tilespmem:v56+s2+$0x0], $0xffff;
	[tilespmem:s12+$0x10060] =	vst v12  }
0xee: {  	v8 =	vadd.s32 $0x5, v27;
	[tilespmem:s12+$0x10020] =	vst v1;
	v1 =	vld.idx.msk [tilespmem:v58+s2+$0x0], $0xffff  }
0xef: {  	v0 =	vadd.s32 $0x5, v29;
	[tilespmem:s12+$0x100D0] =	vst v9;
	v14 =	vld.idx.msk [tilespmem:v54+s2+$0x0], $0xffff  }
0xf0: {  	v60 =	vadd.s32 $0x5, v5;
	v63 =	vld.idx.msk [tilespmem:v10+s2+$0x0], $0xffff;
	[tilespmem:s12+$0x100F0] =	vst v2  }
0xf1: {  	[tilespmem:s12+$0x100B0] =	vst v61;
	v2 =	vld.idx.msk [tilespmem:v3+s2+$0x0], $0xffff  }
0xf2: {  	v5 =	vld.idx.msk [tilespmem:v6+s2+$0x0], $0xffff;
	[tilespmem:s12+$0x100C0] =	vst v7  }
0xf3: {  	v62 =	vld.idx.msk [tilespmem:v8+s2+$0x0], $0xffff;
	[tilespmem:s12+$0x100E0] =	vst v1  }
0xf4: {  	[tilespmem:s12+$0x100A0] =	vst v14;
	v0 =	vld.idx.msk [tilespmem:v0+s2+$0x0], $0xffff  }
0xf5: {  	p0 =	slt.u32 s11, $0x1200;
	[tilespmem:s12+$0x10150] =	vst v63;
	v4 =	vld.idx.msk [tilespmem:v60+s2+$0x0], $0xffff  }
.Ltmp0:
0xf6: {  	[tilespmem:s12+$0x10170] =	vst v2;
	(pc) =	sbr.rel @p0 .LBB2_2-.Ltmp0, $4  }
0xf7: {  	[tilespmem:s12+$0x10130] =	vst v5  }
0xf8: {  	[tilespmem:s12+$0x10140] =	vst v62  }
0xf9: {  	s31 =	sadd.s32 $0x200, s11;
	[tilespmem:s12+$0x10160] =	vst v0  }
0xfa: {  	s11 =	smov.u32 s31;
	[tilespmem:s12+$0x10120] =	vst v4  }
0xfb: {  	s10 =	sadd.s32 $0x1, s10  }
0xfc: {  	p0 =	sne.s32 s10, s6  }
.Ltmp1:
0xfd: {  	_ = 	snop;
	(pc) =	sbr.rel @p0 .LBB2_1-.Ltmp1, $4  }
0xfe: {  	[hbm4b:s5+s2] =	stream.linear.scatter [tilespmem:s9], [sflag:$0x1], $0xA000, $0x38;
	[tilespmem:$0x19E80] =	vst v63  }
0xff: {  	_ =	swait.ge [sflag:s7], $0xA000  }
0x100: {  	[sflag:s7] =	ssyncset.done $0x0  }
0x101: {  	[sflag:s7] =	ssyncadd.s32 $0xFFFF6000  }
0x102: {  	_ =	sfence.sel $0x180000  }
0x103: {  	[bflag:$0x0] =	sbarrier.arrive $0xFFFF  }
0x104: {  	p0 =	sne.s32 s0, $0x0;
	_ =	strace $0x90000047  }
0x105: {  	s0 =	sadd.s32 @!p0 $0x100000, s1;
	[bflag:$0x2] =	sbarrier.arrive $0xFFFF  }
0x106: {  	[sflag:s0] =	ssyncadd.tile.s32 @!p0 $0x1;
	_ =	shalt  }
.Lfunc_end2:
_tile_overlayer_lowered:
.L_overlay_start_2:
0x107: {  	(tag) =	ssettag $0x2  }
0x108: {  	s0 =	rddreg [dreg:$0x0];
	s2 =	stileid.u32  }
0x109: {  	s1 =	rddreg [dreg:$0x1];
	p0 =	sne.s32 s2, $0x0  }
0x10a: {  	s3 =	rddreg [dreg:$0x2];
	[bflag:$0x3] =	sbarrier.arrive $0xFFFF;
	s2 =	simm.s32 @!p0 $0x1C01  }
0x10b: {  	[timem:s3], [sflag:s2] =	dma.local @!p0 [hbm:s0], s1  }
0x10c: {  	s0 =	simm.s32 @!p0 $0x1  }
0x10d: {  	_ =	swait.ge @!p0 [sflag:s0], s1  }
0x10e: {  	s1 =	ssub.s32 @!p0 $0x0, s1;
	[sflag:s0] =	ssyncset.done @!p0 $0x0  }
0x10f: {  	[sflag:s0] =	ssyncadd.s32 @!p0 s1  }
0x110: {  	[bflag:$0x3] =	sbarrier.arrive $0xFFFF  }
0x111: {  	_ =	shalt  }

</sc_bundles>
